<compile_context>
chip_gen: v7x
topology: tpu7x:2x2x1
jax: 0.10.2.dev20260603
libtpu: 0.0.44.dev20260713+nightly
codegen_flags: <defaults>
</compile_context>

<pallas_src>
import functools

import jax
import jax.numpy as jnp
from jax import lax
from jax.experimental import pallas as pl
from jax.experimental.pallas import tpu as pltpu
from jax.experimental.pallas import tpu_sc as plsc

_VOCAB = 10000
_N_TOK = 4096
_ROW_W = 32
_NW = 32
_L = 16
_TPW = _N_TOK // _NW
_G = _TPW // _L

_mesh = plsc.VectorSubcoreMesh(core_axis_name="c", subcore_axis_name="s")


@functools.partial(
    pl.kernel,
    out_type=jax.ShapeDtypeStruct((2 * _NW * _L,), jnp.float32),
    mesh=_mesh,
    compiler_params=pltpu.CompilerParams(
        needs_layout_passes=False, use_tc_tiling_on_sc=True),
    scratch_types=[
        pltpu.VMEM((_TPW,), jnp.int32),
        pltpu.VMEM((_TPW,), jnp.float32),
        pltpu.VMEM((_TPW,), jnp.int32),
        pltpu.VMEM((_TPW, 128), jnp.float32),
        pltpu.VMEM((2 * _L,), jnp.float32),
        pltpu.SemaphoreType.DMA,
        pltpu.SemaphoreType.DMA,
        pltpu.SemaphoreType.DMA,
    ],
)
def _lm_partials(txtT_hbm, vis_hbm, tgt_hbm, out_hbm,
                 tgt_v, vis_v, idx_v, gat_v, acc_v, sem_t, sem_v, sem_g):
    wid = lax.axis_index("s") * 2 + lax.axis_index("c")
    base = wid * _TPW
    cp_t = pltpu.async_copy(tgt_hbm.at[pl.ds(base, _TPW)], tgt_v, sem_t)
    cp_v = pltpu.async_copy(vis_hbm.at[pl.ds(base, _TPW)], vis_v, sem_v)
    cp_t.wait()

    lane = lax.iota(jnp.int32, _L)
    num_acc = jnp.zeros((_L,), jnp.float32)
    den_acc = jnp.zeros((_L,), jnp.float32)
    txt_masks = []
    vis_masks = []
    for j in range(_G):
        local = lane + (j * _L)
        cur = tgt_v[pl.ds(j * _L, _L)]
        prev = plsc.load_gather(tgt_v, [jnp.maximum(local - 1, 0)])
        vis_m = cur > _VOCAB
        first = (local % _ROW_W) == 0
        txt_m = jnp.logical_and(jnp.logical_or(first, prev > 0),
                                jnp.logical_not(vis_m))
        idx_v[pl.ds(j * _L, _L)] = jnp.where(vis_m, 0, cur)
        den_acc = (den_acc + vis_m.astype(jnp.float32)
                   + txt_m.astype(jnp.float32))
        txt_masks.append(txt_m)
        vis_masks.append(vis_m)

    cp_g = pltpu.async_copy(
        txtT_hbm.at[idx_v, pl.ds(base, 128)], gat_v, sem_g)

    cp_v.wait()
    for j in range(_G):
        num_acc = num_acc + jnp.where(vis_masks[j],
                                      vis_v[pl.ds(j * _L, _L)], 0.0)

    cp_g.wait()
    for j in range(_G):
        local = lane + (j * _L)
        vals = plsc.load_gather(gat_v, [local, local])
        num_acc = num_acc + jnp.where(txt_masks[j], vals, 0.0)

    acc_v[pl.ds(0, _L)] = num_acc
    acc_v[pl.ds(_L, _L)] = den_acc
    pltpu.sync_copy(acc_v.at[pl.ds(0, _L)],
                    out_hbm.at[pl.ds(wid * _L, _L)])
    pltpu.sync_copy(acc_v.at[pl.ds(_L, _L)],
                    out_hbm.at[pl.ds(_NW * _L + wid * _L, _L)])


def kernel(txt_input, vis_input, target):
    txtT = txt_input.T
    vis_flat = vis_input.reshape(-1)
    tgt_flat = target.reshape(-1).astype(jnp.int32)
    parts = _lm_partials(txtT, vis_flat, tgt_flat)
    num = jnp.sum(parts[: _NW * _L])
    den = jnp.sum(parts[_NW * _L:])
    return -(num / den)

# --- scband reference (transcript-rebuilt; emitter-appended) ---
"""Pipeline reference for scband-lmcriterion-3882650436486 (READ-ONLY COPY).

The authoritative reference and input builder live on the scoring server;
editing this copy changes nothing except your own understanding.
"""

import jax, jax.numpy as jnp
import numpy as np

VOCAB_SIZE = 10000

def setup_inputs(seed: int = 0) -> dict:
    key = jax.random.key(seed)
    k1, k2, k3 = jax.random.split(key, 3)
    txt_input = jax.random.normal(k1, (4096, 10001), dtype=jnp.float32)
    vis_input = jax.random.normal(k2, (4096, 1), dtype=jnp.float32)
    target = jax.random.randint(k3, (128, 32), 0, 10010, dtype=jnp.int64) if jax.config.jax_enable_x64 else jax.random.randint(k3, (128, 32), 0, 10010, dtype=jnp.int32)
    return {"txt_input": txt_input, "vis_input": vis_input, "target": target}

def reference(txt_input, vis_input, target):
    # vis_mask: positions where target index exceeds text vocab -> visual word
    vis_mask_flat = (target > VOCAB_SIZE).reshape(-1)
    # txt_mask: shifted non-pad mask (first column forced to 1), zeroed where visual
    txt_mask = target > 0
    first_col = jnp.ones((txt_mask.shape[0], 1), dtype=bool)
    txt_mask = jnp.concatenate([first_col, txt_mask[:, :-1]], axis=1)
    txt_mask = jnp.where(target > VOCAB_SIZE, False, txt_mask)
    # -masked_select(vis_input, vis_mask) summed == -sum over masked entries
    vis_out_sum = -jnp.sum(jnp.where(vis_mask_flat, vis_input.reshape(-1), 0.0))
    # zero out visual-word indices before gather (matches target.data[...] = 0)
    target_z = jnp.where(target > VOCAB_SIZE, 0, target).reshape(-1, 1)
    txt_select = jnp.take_along_axis(txt_input, target_z, axis=1)  # [N, 1]
    txt_mask_flat = txt_mask.reshape(-1)
    txt_out_sum = -jnp.sum(jnp.where(txt_mask_flat, txt_select.reshape(-1), 0.0))
    denom = (jnp.sum(txt_mask_flat) + jnp.sum(vis_mask_flat)).astype(jnp.float32)
    loss = (txt_out_sum + vis_out_sum).astype(jnp.float32) / denom
    return loss

if __name__ == "__main__":
    import jax
    _d = setup_inputs()
    print(jax.jit(kernel)(*tuple(_d.values())))

</pallas_src>

<mosaic_0001>
#map = affine_map<(d0, d1) -> (0, 0)>
#map1 = affine_map<(d0, d1) -> (0)>
module attributes {stable_mosaic.version = 14 : i64} {
  func.func @_lm_partials(%arg0: i32, %arg1: i32, %arg2: memref<10001x4096xf32, #tpu.memory_space<hbm>>, %arg3: memref<4096xf32, #tpu.memory_space<hbm>>, %arg4: memref<4096xi32, #tpu.memory_space<hbm>>, %arg5: memref<1024xf32, #tpu.memory_space<hbm>>, %arg6: memref<128xi32, #tpu.memory_space<vmem>>, %arg7: memref<128xf32, #tpu.memory_space<vmem>>, %arg8: memref<128xi32, #tpu.memory_space<vmem>>, %arg9: memref<128x128xf32, #tpu.memory_space<vmem>>, %arg10: memref<32xf32, #tpu.memory_space<vmem>>, %arg11: memref<!tpu.dma_semaphore, #tpu.memory_space<semaphore_mem>>, %arg12: memref<!tpu.dma_semaphore, #tpu.memory_space<semaphore_mem>>, %arg13: memref<!tpu.dma_semaphore, #tpu.memory_space<semaphore_mem>>) attributes {dimension_semantics = [#tpu.dimension_semantics<core_parallel>, #tpu.dimension_semantics<subcore_parallel>], iteration_bounds = array<i64: 2, 16>, scalar_prefetch = 0 : i64, scratch_operands = 8 : i64, tpu.core_type = #tpu.core_type<sc_vector_subcore>, window_params = [{transform_indices = #map}, {transform_indices = #map1}, {transform_indices = #map1}, {transform_indices = #map1}]} {
    %mul3A = arith.constant 2 : i32
    %mul3A_0 = arith.muli %arg1, %mul3A : i32
    %add3A = arith.addi %mul3A_0, %arg0 : i32
    %mul3A_1 = arith.constant 128 : i32
    %mul3A_2 = arith.muli %add3A, %mul3A_1 : i32
    %dma_start3A = tpu.memref_slice %arg4[%mul3A_2] : memref<4096xi32, #tpu.memory_space<hbm>> -> memref<128xi32, #tpu.memory_space<hbm>>
    %dma_start3A_3 = tpu.memref_slice %arg4[%mul3A_2] : memref<4096xi32, #tpu.memory_space<hbm>> -> memref<128xi32, #tpu.memory_space<hbm>>
    tpu.enqueue_dma source(%dma_start3A_3 : memref<128xi32, #tpu.memory_space<hbm>>) target(%arg6 : memref<128xi32, #tpu.memory_space<vmem>>) target_semaphore(%arg11 : memref<!tpu.dma_semaphore, #tpu.memory_space<semaphore_mem>>)
    %dma_start3A_4 = tpu.memref_slice %arg3[%mul3A_2] : memref<4096xf32, #tpu.memory_space<hbm>> -> memref<128xf32, #tpu.memory_space<hbm>>
    %dma_start3A_5 = tpu.memref_slice %arg3[%mul3A_2] : memref<4096xf32, #tpu.memory_space<hbm>> -> memref<128xf32, #tpu.memory_space<hbm>>
    tpu.enqueue_dma source(%dma_start3A_5 : memref<128xf32, #tpu.memory_space<hbm>>) target(%arg7 : memref<128xf32, #tpu.memory_space<vmem>>) target_semaphore(%arg12 : memref<!tpu.dma_semaphore, #tpu.memory_space<semaphore_mem>>)
    %dma_wait3A = tpu.memref_slice %arg4[%mul3A_2] : memref<4096xi32, #tpu.memory_space<hbm>> -> memref<128xi32, #tpu.memory_space<hbm>>
    %dma_wait3A_6 = tpu.memref_slice %arg4[%mul3A_2] : memref<4096xi32, #tpu.memory_space<hbm>> -> memref<128xi32, #tpu.memory_space<hbm>>
    tpu.wait_dma2 semaphore(%arg11 : memref<!tpu.dma_semaphore, #tpu.memory_space<semaphore_mem>>) src(%dma_wait3A_6 : memref<128xi32, #tpu.memory_space<hbm>>) dst(%arg6 : memref<128xi32, #tpu.memory_space<vmem>>)
    %iota3A = tpu.iota {dimensions = array<i32: 0>} : vector<16xi32>
    %broadcast_in_dim3A = arith.constant 0.000000e+00 : f32
    %broadcast_in_dim3A_7 = vector.broadcast %broadcast_in_dim3A : f32 to vector<16xf32>
    %broadcast_in_dim3A_8 = arith.constant 0.000000e+00 : f32
    %broadcast_in_dim3A_9 = vector.broadcast %broadcast_in_dim3A_8 : f32 to vector<16xf32>
    %add3A_10 = arith.constant 0 : i32
    %add3A_11 = vector.broadcast %add3A_10 : i32 to vector<16xi32>
    %add3A_12 = arith.addi %iota3A, %add3A_11 : vector<16xi32>
    %get3A = arith.constant 0 : index
    %get3A_13 = tpu.vector_load %arg6[%get3A] {strides = array<i32>} : memref<128xi32, #tpu.memory_space<vmem>>, vector<16xi32>,
    %sub3A = arith.constant 1 : i32
    %sub3A_14 = vector.broadcast %sub3A : i32 to vector<16xi32>
    %sub3A_15 = arith.subi %add3A_12, %sub3A_14 : vector<16xi32>
    %max3A = arith.constant 0 : i32
    %max3A_16 = vector.broadcast %max3A : i32 to vector<16xi32>
    %max3A_17 = arith.maxsi %sub3A_15, %max3A_16 : vector<16xi32>
    %gather3A = tpu.vector_load_idx %arg6[%max3A_17] : memref<128xi32, #tpu.memory_space<vmem>>[vector<16xi32>], vector<16xi32>,
    %gt3A = arith.constant 10000 : i32
    %gt3A_18 = vector.broadcast %gt3A : i32 to vector<16xi32>
    %gt3A_19 = arith.cmpi sgt, %get3A_13, %gt3A_18 : vector<16xi32>
    %jit3A = arith.constant 32 : i32
    %eq3A = arith.constant 0 : i32
    %eq3A_20 = arith.cmpi eq, %jit3A, %eq3A : i32
    %jit3A_21 = arith.constant 1 : i32
    %select_n3A = arith.select %eq3A_20, %jit3A_21, %jit3A : i32
    %rem3A = vector.broadcast %select_n3A : i32 to vector<16xi32>
    %rem3A_22 = arith.remsi %add3A_12, %rem3A : vector<16xi32>
    %ne3A = arith.constant 0 : i32
    %ne3A_23 = vector.broadcast %ne3A : i32 to vector<16xi32>
    %ne3A_24 = arith.cmpi ne, %rem3A_22, %ne3A_23 : vector<16xi32>
    %lt3A = arith.constant 0 : i32
    %lt3A_25 = vector.broadcast %lt3A : i32 to vector<16xi32>
    %lt3A_26 = arith.cmpi slt, %rem3A_22, %lt3A_25 : vector<16xi32>
    %lt3A_27 = arith.constant 0 : i32
    %lt3A_28 = arith.cmpi slt, %select_n3A, %lt3A_27 : i32
    %ne3A_29 = vector.broadcast %lt3A_28 : i1 to vector<16xi1>
    %ne3A_30 = vector.broadcast %ne3A_29 : vector<16xi1> to vector<16xi1>
    %ne3A_31 = arith.xori %lt3A_26, %ne3A_30 : vector<16xi1>
    %and3A = arith.andi %ne3A_31, %ne3A_24 : vector<16xi1>
    %add3A_32 = vector.broadcast %select_n3A : i32 to vector<16xi32>
    %add3A_33 = arith.addi %rem3A_22, %add3A_32 : vector<16xi32>
    %select_n3A_34 = arith.select %and3A, %add3A_33, %rem3A_22 : vector<16xi1>, vector<16xi32>
    %eq3A_35 = arith.constant 0 : i32
    %eq3A_36 = vector.broadcast %eq3A_35 : i32 to vector<16xi32>
    %eq3A_37 = arith.cmpi eq, %select_n3A_34, %eq3A_36 : vector<16xi32>
    %gt3A_38 = arith.constant 0 : i32
    %gt3A_39 = vector.broadcast %gt3A_38 : i32 to vector<16xi32>
    %gt3A_40 = arith.cmpi sgt, %gather3A, %gt3A_39 : vector<16xi32>
    %or3A = arith.ori %eq3A_37, %gt3A_40 : vector<16xi1>
    %not3A = arith.constant dense<true> : vector<16xi1>
    %not3A_41 = arith.xori %gt3A_19, %not3A : vector<16xi1>
    %and3A_42 = arith.andi %or3A, %not3A_41 : vector<16xi1>
    %jit3A_43 = arith.constant 0 : i32
    %broadcast_in_dim3A_44 = vector.broadcast %jit3A_43 : i32 to vector<16xi32>
    %select_n3A_45 = arith.select %gt3A_19, %broadcast_in_dim3A_44, %get3A_13 : vector<16xi1>, vector<16xi32>
    %swap3A = arith.constant 0 : index
    %swap3A_46 = tpu.vector_load %arg8[%swap3A] {strides = array<i32>} : memref<128xi32, #tpu.memory_space<vmem>>, vector<16xi32>,
    tpu.vector_store %arg8[%swap3A], %select_n3A_45 {strides = array<i32>} : memref<128xi32, #tpu.memory_space<vmem>>, vector<16xi32>,
    %convert_element_type3A = arith.extui %gt3A_19 : vector<16xi1> to vector<16xi32>
    %convert_element_type3A_47 = arith.sitofp %convert_element_type3A : vector<16xi32> to vector<16xf32>
    %add3A_48 = arith.addf %broadcast_in_dim3A_9, %convert_element_type3A_47 : vector<16xf32>
    %convert_element_type3A_49 = arith.extui %and3A_42 : vector<16xi1> to vector<16xi32>
    %convert_element_type3A_50 = arith.sitofp %convert_element_type3A_49 : vector<16xi32> to vector<16xf32>
    %add3A_51 = arith.addf %add3A_48, %convert_element_type3A_50 : vector<16xf32>
    %add3A_52 = arith.constant 16 : i32
    %add3A_53 = vector.broadcast %add3A_52 : i32 to vector<16xi32>
    %add3A_54 = arith.addi %iota3A, %add3A_53 : vector<16xi32>
    %get3A_55 = arith.constant 16 : index
    %get3A_56 = tpu.vector_load %arg6[%get3A_55] {strides = array<i32>} : memref<128xi32, #tpu.memory_space<vmem>>, vector<16xi32>,
    %sub3A_57 = arith.constant 1 : i32
    %sub3A_58 = vector.broadcast %sub3A_57 : i32 to vector<16xi32>
    %sub3A_59 = arith.subi %add3A_54, %sub3A_58 : vector<16xi32>
    %max3A_60 = arith.constant 0 : i32
    %max3A_61 = vector.broadcast %max3A_60 : i32 to vector<16xi32>
    %max3A_62 = arith.maxsi %sub3A_59, %max3A_61 : vector<16xi32>
    %gather3A_63 = tpu.vector_load_idx %arg6[%max3A_62] : memref<128xi32, #tpu.memory_space<vmem>>[vector<16xi32>], vector<16xi32>,
    %gt3A_64 = arith.constant 10000 : i32
    %gt3A_65 = vector.broadcast %gt3A_64 : i32 to vector<16xi32>
    %gt3A_66 = arith.cmpi sgt, %get3A_56, %gt3A_65 : vector<16xi32>
    %jit3A_67 = arith.constant 32 : i32
    %eq3A_68 = arith.constant 0 : i32
    %eq3A_69 = arith.cmpi eq, %jit3A_67, %eq3A_68 : i32
    %jit3A_70 = arith.constant 1 : i32
    %select_n3A_71 = arith.select %eq3A_69, %jit3A_70, %jit3A_67 : i32
    %rem3A_72 = vector.broadcast %select_n3A_71 : i32 to vector<16xi32>
    %rem3A_73 = arith.remsi %add3A_54, %rem3A_72 : vector<16xi32>
    %ne3A_74 = arith.constant 0 : i32
    %ne3A_75 = vector.broadcast %ne3A_74 : i32 to vector<16xi32>
    %ne3A_76 = arith.cmpi ne, %rem3A_73, %ne3A_75 : vector<16xi32>
    %lt3A_77 = arith.constant 0 : i32
    %lt3A_78 = vector.broadcast %lt3A_77 : i32 to vector<16xi32>
    %lt3A_79 = arith.cmpi slt, %rem3A_73, %lt3A_78 : vector<16xi32>
    %lt3A_80 = arith.constant 0 : i32
    %lt3A_81 = arith.cmpi slt, %select_n3A_71, %lt3A_80 : i32
    %ne3A_82 = vector.broadcast %lt3A_81 : i1 to vector<16xi1>
    %ne3A_83 = vector.broadcast %ne3A_82 : vector<16xi1> to vector<16xi1>
    %ne3A_84 = arith.xori %lt3A_79, %ne3A_83 : vector<16xi1>
    %and3A_85 = arith.andi %ne3A_84, %ne3A_76 : vector<16xi1>
    %add3A_86 = vector.broadcast %select_n3A_71 : i32 to vector<16xi32>
    %add3A_87 = arith.addi %rem3A_73, %add3A_86 : vector<16xi32>
    %select_n3A_88 = arith.select %and3A_85, %add3A_87, %rem3A_73 : vector<16xi1>, vector<16xi32>
    %eq3A_89 = arith.constant 0 : i32
    %eq3A_90 = vector.broadcast %eq3A_89 : i32 to vector<16xi32>
    %eq3A_91 = arith.cmpi eq, %select_n3A_88, %eq3A_90 : vector<16xi32>
    %gt3A_92 = arith.constant 0 : i32
    %gt3A_93 = vector.broadcast %gt3A_92 : i32 to vector<16xi32>
    %gt3A_94 = arith.cmpi sgt, %gather3A_63, %gt3A_93 : vector<16xi32>
    %or3A_95 = arith.ori %eq3A_91, %gt3A_94 : vector<16xi1>
    %not3A_96 = arith.constant dense<true> : vector<16xi1>
    %not3A_97 = arith.xori %gt3A_66, %not3A_96 : vector<16xi1>
    %and3A_98 = arith.andi %or3A_95, %not3A_97 : vector<16xi1>
    %jit3A_99 = arith.constant 0 : i32
    %broadcast_in_dim3A_100 = vector.broadcast %jit3A_99 : i32 to vector<16xi32>
    %select_n3A_101 = arith.select %gt3A_66, %broadcast_in_dim3A_100, %get3A_56 : vector<16xi1>, vector<16xi32>
    %swap3A_102 = arith.constant 16 : index
    %swap3A_103 = tpu.vector_load %arg8[%swap3A_102] {strides = array<i32>} : memref<128xi32, #tpu.memory_space<vmem>>, vector<16xi32>,
    tpu.vector_store %arg8[%swap3A_102], %select_n3A_101 {strides = array<i32>} : memref<128xi32, #tpu.memory_space<vmem>>, vector<16xi32>,
    %convert_element_type3A_104 = arith.extui %gt3A_66 : vector<16xi1> to vector<16xi32>
    %convert_element_type3A_105 = arith.sitofp %convert_element_type3A_104 : vector<16xi32> to vector<16xf32>
    %add3A_106 = arith.addf %add3A_51, %convert_element_type3A_105 : vector<16xf32>
    %convert_element_type3A_107 = arith.extui %and3A_98 : vector<16xi1> to vector<16xi32>
    %convert_element_type3A_108 = arith.sitofp %convert_element_type3A_107 : vector<16xi32> to vector<16xf32>
    %add3A_109 = arith.addf %add3A_106, %convert_element_type3A_108 : vector<16xf32>
    %add3A_110 = arith.constant 32 : i32
    %add3A_111 = vector.broadcast %add3A_110 : i32 to vector<16xi32>
    %add3A_112 = arith.addi %iota3A, %add3A_111 : vector<16xi32>
    %get3A_113 = arith.constant 32 : index
    %get3A_114 = tpu.vector_load %arg6[%get3A_113] {strides = array<i32>} : memref<128xi32, #tpu.memory_space<vmem>>, vector<16xi32>,
    %sub3A_115 = arith.constant 1 : i32
    %sub3A_116 = vector.broadcast %sub3A_115 : i32 to vector<16xi32>
    %sub3A_117 = arith.subi %add3A_112, %sub3A_116 : vector<16xi32>
    %max3A_118 = arith.constant 0 : i32
    %max3A_119 = vector.broadcast %max3A_118 : i32 to vector<16xi32>
    %max3A_120 = arith.maxsi %sub3A_117, %max3A_119 : vector<16xi32>
    %gather3A_121 = tpu.vector_load_idx %arg6[%max3A_120] : memref<128xi32, #tpu.memory_space<vmem>>[vector<16xi32>], vector<16xi32>,
    %gt3A_122 = arith.constant 10000 : i32
    %gt3A_123 = vector.broadcast %gt3A_122 : i32 to vector<16xi32>
    %gt3A_124 = arith.cmpi sgt, %get3A_114, %gt3A_123 : vector<16xi32>
    %jit3A_125 = arith.constant 32 : i32
    %eq3A_126 = arith.constant 0 : i32
    %eq3A_127 = arith.cmpi eq, %jit3A_125, %eq3A_126 : i32
    %jit3A_128 = arith.constant 1 : i32
    %select_n3A_129 = arith.select %eq3A_127, %jit3A_128, %jit3A_125 : i32
    %rem3A_130 = vector.broadcast %select_n3A_129 : i32 to vector<16xi32>
    %rem3A_131 = arith.remsi %add3A_112, %rem3A_130 : vector<16xi32>
    %ne3A_132 = arith.constant 0 : i32
    %ne3A_133 = vector.broadcast %ne3A_132 : i32 to vector<16xi32>
    %ne3A_134 = arith.cmpi ne, %rem3A_131, %ne3A_133 : vector<16xi32>
    %lt3A_135 = arith.constant 0 : i32
    %lt3A_136 = vector.broadcast %lt3A_135 : i32 to vector<16xi32>
    %lt3A_137 = arith.cmpi slt, %rem3A_131, %lt3A_136 : vector<16xi32>
    %lt3A_138 = arith.constant 0 : i32
    %lt3A_139 = arith.cmpi slt, %select_n3A_129, %lt3A_138 : i32
    %ne3A_140 = vector.broadcast %lt3A_139 : i1 to vector<16xi1>
    %ne3A_141 = vector.broadcast %ne3A_140 : vector<16xi1> to vector<16xi1>
    %ne3A_142 = arith.xori %lt3A_137, %ne3A_141 : vector<16xi1>
    %and3A_143 = arith.andi %ne3A_142, %ne3A_134 : vector<16xi1>
    %add3A_144 = vector.broadcast %select_n3A_129 : i32 to vector<16xi32>
    %add3A_145 = arith.addi %rem3A_131, %add3A_144 : vector<16xi32>
    %select_n3A_146 = arith.select %and3A_143, %add3A_145, %rem3A_131 : vector<16xi1>, vector<16xi32>
    %eq3A_147 = arith.constant 0 : i32
    %eq3A_148 = vector.broadcast %eq3A_147 : i32 to vector<16xi32>
    %eq3A_149 = arith.cmpi eq, %select_n3A_146, %eq3A_148 : vector<16xi32>
    %gt3A_150 = arith.constant 0 : i32
    %gt3A_151 = vector.broadcast %gt3A_150 : i32 to vector<16xi32>
    %gt3A_152 = arith.cmpi sgt, %gather3A_121, %gt3A_151 : vector<16xi32>
    %or3A_153 = arith.ori %eq3A_149, %gt3A_152 : vector<16xi1>
    %not3A_154 = arith.constant dense<true> : vector<16xi1>
    %not3A_155 = arith.xori %gt3A_124, %not3A_154 : vector<16xi1>
    %and3A_156 = arith.andi %or3A_153, %not3A_155 : vector<16xi1>
    %jit3A_157 = arith.constant 0 : i32
    %broadcast_in_dim3A_158 = vector.broadcast %jit3A_157 : i32 to vector<16xi32>
    %select_n3A_159 = arith.select %gt3A_124, %broadcast_in_dim3A_158, %get3A_114 : vector<16xi1>, vector<16xi32>
    %swap3A_160 = arith.constant 32 : index
    %swap3A_161 = tpu.vector_load %arg8[%swap3A_160] {strides = array<i32>} : memref<128xi32, #tpu.memory_space<vmem>>, vector<16xi32>,
    tpu.vector_store %arg8[%swap3A_160], %select_n3A_159 {strides = array<i32>} : memref<128xi32, #tpu.memory_space<vmem>>, vector<16xi32>,
    %convert_element_type3A_162 = arith.extui %gt3A_124 : vector<16xi1> to vector<16xi32>
    %convert_element_type3A_163 = arith.sitofp %convert_element_type3A_162 : vector<16xi32> to vector<16xf32>
    %add3A_164 = arith.addf %add3A_109, %convert_element_type3A_163 : vector<16xf32>
    %convert_element_type3A_165 = arith.extui %and3A_156 : vector<16xi1> to vector<16xi32>
    %convert_element_type3A_166 = arith.sitofp %convert_element_type3A_165 : vector<16xi32> to vector<16xf32>
    %add3A_167 = arith.addf %add3A_164, %convert_element_type3A_166 : vector<16xf32>
    %add3A_168 = arith.constant 48 : i32
    %add3A_169 = vector.broadcast %add3A_168 : i32 to vector<16xi32>
    %add3A_170 = arith.addi %iota3A, %add3A_169 : vector<16xi32>
    %get3A_171 = arith.constant 48 : index
    %get3A_172 = tpu.vector_load %arg6[%get3A_171] {strides = array<i32>} : memref<128xi32, #tpu.memory_space<vmem>>, vector<16xi32>,
    %sub3A_173 = arith.constant 1 : i32
    %sub3A_174 = vector.broadcast %sub3A_173 : i32 to vector<16xi32>
    %sub3A_175 = arith.subi %add3A_170, %sub3A_174 : vector<16xi32>
    %max3A_176 = arith.constant 0 : i32
    %max3A_177 = vector.broadcast %max3A_176 : i32 to vector<16xi32>
    %max3A_178 = arith.maxsi %sub3A_175, %max3A_177 : vector<16xi32>
    %gather3A_179 = tpu.vector_load_idx %arg6[%max3A_178] : memref<128xi32, #tpu.memory_space<vmem>>[vector<16xi32>], vector<16xi32>,
    %gt3A_180 = arith.constant 10000 : i32
    %gt3A_181 = vector.broadcast %gt3A_180 : i32 to vector<16xi32>
    %gt3A_182 = arith.cmpi sgt, %get3A_172, %gt3A_181 : vector<16xi32>
    %jit3A_183 = arith.constant 32 : i32
    %eq3A_184 = arith.constant 0 : i32
    %eq3A_185 = arith.cmpi eq, %jit3A_183, %eq3A_184 : i32
    %jit3A_186 = arith.constant 1 : i32
    %select_n3A_187 = arith.select %eq3A_185, %jit3A_186, %jit3A_183 : i32
    %rem3A_188 = vector.broadcast %select_n3A_187 : i32 to vector<16xi32>
    %rem3A_189 = arith.remsi %add3A_170, %rem3A_188 : vector<16xi32>
    %ne3A_190 = arith.constant 0 : i32
    %ne3A_191 = vector.broadcast %ne3A_190 : i32 to vector<16xi32>
    %ne3A_192 = arith.cmpi ne, %rem3A_189, %ne3A_191 : vector<16xi32>
    %lt3A_193 = arith.constant 0 : i32
    %lt3A_194 = vector.broadcast %lt3A_193 : i32 to vector<16xi32>
    %lt3A_195 = arith.cmpi slt, %rem3A_189, %lt3A_194 : vector<16xi32>
    %lt3A_196 = arith.constant 0 : i32
    %lt3A_197 = arith.cmpi slt, %select_n3A_187, %lt3A_196 : i32
    %ne3A_198 = vector.broadcast %lt3A_197 : i1 to vector<16xi1>
    %ne3A_199 = vector.broadcast %ne3A_198 : vector<16xi1> to vector<16xi1>
    %ne3A_200 = arith.xori %lt3A_195, %ne3A_199 : vector<16xi1>
    %and3A_201 = arith.andi %ne3A_200, %ne3A_192 : vector<16xi1>
    %add3A_202 = vector.broadcast %select_n3A_187 : i32 to vector<16xi32>
    %add3A_203 = arith.addi %rem3A_189, %add3A_202 : vector<16xi32>
    %select_n3A_204 = arith.select %and3A_201, %add3A_203, %rem3A_189 : vector<16xi1>, vector<16xi32>
    %eq3A_205 = arith.constant 0 : i32
    %eq3A_206 = vector.broadcast %eq3A_205 : i32 to vector<16xi32>
    %eq3A_207 = arith.cmpi eq, %select_n3A_204, %eq3A_206 : vector<16xi32>
    %gt3A_208 = arith.constant 0 : i32
    %gt3A_209 = vector.broadcast %gt3A_208 : i32 to vector<16xi32>
    %gt3A_210 = arith.cmpi sgt, %gather3A_179, %gt3A_209 : vector<16xi32>
    %or3A_211 = arith.ori %eq3A_207, %gt3A_210 : vector<16xi1>
    %not3A_212 = arith.constant dense<true> : vector<16xi1>
    %not3A_213 = arith.xori %gt3A_182, %not3A_212 : vector<16xi1>
    %and3A_214 = arith.andi %or3A_211, %not3A_213 : vector<16xi1>
    %jit3A_215 = arith.constant 0 : i32
    %broadcast_in_dim3A_216 = vector.broadcast %jit3A_215 : i32 to vector<16xi32>
    %select_n3A_217 = arith.select %gt3A_182, %broadcast_in_dim3A_216, %get3A_172 : vector<16xi1>, vector<16xi32>
    %swap3A_218 = arith.constant 48 : index
    %swap3A_219 = tpu.vector_load %arg8[%swap3A_218] {strides = array<i32>} : memref<128xi32, #tpu.memory_space<vmem>>, vector<16xi32>,
    tpu.vector_store %arg8[%swap3A_218], %select_n3A_217 {strides = array<i32>} : memref<128xi32, #tpu.memory_space<vmem>>, vector<16xi32>,
    %convert_element_type3A_220 = arith.extui %gt3A_182 : vector<16xi1> to vector<16xi32>
    %convert_element_type3A_221 = arith.sitofp %convert_element_type3A_220 : vector<16xi32> to vector<16xf32>
    %add3A_222 = arith.addf %add3A_167, %convert_element_type3A_221 : vector<16xf32>
    %convert_element_type3A_223 = arith.extui %and3A_214 : vector<16xi1> to vector<16xi32>
    %convert_element_type3A_224 = arith.sitofp %convert_element_type3A_223 : vector<16xi32> to vector<16xf32>
    %add3A_225 = arith.addf %add3A_222, %convert_element_type3A_224 : vector<16xf32>
    %add3A_226 = arith.constant 64 : i32
    %add3A_227 = vector.broadcast %add3A_226 : i32 to vector<16xi32>
    %add3A_228 = arith.addi %iota3A, %add3A_227 : vector<16xi32>
    %get3A_229 = arith.constant 64 : index
    %get3A_230 = tpu.vector_load %arg6[%get3A_229] {strides = array<i32>} : memref<128xi32, #tpu.memory_space<vmem>>, vector<16xi32>,
    %sub3A_231 = arith.constant 1 : i32
    %sub3A_232 = vector.broadcast %sub3A_231 : i32 to vector<16xi32>
    %sub3A_233 = arith.subi %add3A_228, %sub3A_232 : vector<16xi32>
    %max3A_234 = arith.constant 0 : i32
    %max3A_235 = vector.broadcast %max3A_234 : i32 to vector<16xi32>
    %max3A_236 = arith.maxsi %sub3A_233, %max3A_235 : vector<16xi32>
    %gather3A_237 = tpu.vector_load_idx %arg6[%max3A_236] : memref<128xi32, #tpu.memory_space<vmem>>[vector<16xi32>], vector<16xi32>,
    %gt3A_238 = arith.constant 10000 : i32
    %gt3A_239 = vector.broadcast %gt3A_238 : i32 to vector<16xi32>
    %gt3A_240 = arith.cmpi sgt, %get3A_230, %gt3A_239 : vector<16xi32>
    %jit3A_241 = arith.constant 32 : i32
    %eq3A_242 = arith.constant 0 : i32
    %eq3A_243 = arith.cmpi eq, %jit3A_241, %eq3A_242 : i32
    %jit3A_244 = arith.constant 1 : i32
    %select_n3A_245 = arith.select %eq3A_243, %jit3A_244, %jit3A_241 : i32
    %rem3A_246 = vector.broadcast %select_n3A_245 : i32 to vector<16xi32>
    %rem3A_247 = arith.remsi %add3A_228, %rem3A_246 : vector<16xi32>
    %ne3A_248 = arith.constant 0 : i32
    %ne3A_249 = vector.broadcast %ne3A_248 : i32 to vector<16xi32>
    %ne3A_250 = arith.cmpi ne, %rem3A_247, %ne3A_249 : vector<16xi32>
    %lt3A_251 = arith.constant 0 : i32
    %lt3A_252 = vector.broadcast %lt3A_251 : i32 to vector<16xi32>
    %lt3A_253 = arith.cmpi slt, %rem3A_247, %lt3A_252 : vector<16xi32>
    %lt3A_254 = arith.constant 0 : i32
    %lt3A_255 = arith.cmpi slt, %select_n3A_245, %lt3A_254 : i32
    %ne3A_256 = vector.broadcast %lt3A_255 : i1 to vector<16xi1>
    %ne3A_257 = vector.broadcast %ne3A_256 : vector<16xi1> to vector<16xi1>
    %ne3A_258 = arith.xori %lt3A_253, %ne3A_257 : vector<16xi1>
    %and3A_259 = arith.andi %ne3A_258, %ne3A_250 : vector<16xi1>
    %add3A_260 = vector.broadcast %select_n3A_245 : i32 to vector<16xi32>
    %add3A_261 = arith.addi %rem3A_247, %add3A_260 : vector<16xi32>
    %select_n3A_262 = arith.select %and3A_259, %add3A_261, %rem3A_247 : vector<16xi1>, vector<16xi32>
    %eq3A_263 = arith.constant 0 : i32
    %eq3A_264 = vector.broadcast %eq3A_263 : i32 to vector<16xi32>
    %eq3A_265 = arith.cmpi eq, %select_n3A_262, %eq3A_264 : vector<16xi32>
    %gt3A_266 = arith.constant 0 : i32
    %gt3A_267 = vector.broadcast %gt3A_266 : i32 to vector<16xi32>
    %gt3A_268 = arith.cmpi sgt, %gather3A_237, %gt3A_267 : vector<16xi32>
    %or3A_269 = arith.ori %eq3A_265, %gt3A_268 : vector<16xi1>
    %not3A_270 = arith.constant dense<true> : vector<16xi1>
    %not3A_271 = arith.xori %gt3A_240, %not3A_270 : vector<16xi1>
    %and3A_272 = arith.andi %or3A_269, %not3A_271 : vector<16xi1>
    %jit3A_273 = arith.constant 0 : i32
    %broadcast_in_dim3A_274 = vector.broadcast %jit3A_273 : i32 to vector<16xi32>
    %select_n3A_275 = arith.select %gt3A_240, %broadcast_in_dim3A_274, %get3A_230 : vector<16xi1>, vector<16xi32>
    %swap3A_276 = arith.constant 64 : index
    %swap3A_277 = tpu.vector_load %arg8[%swap3A_276] {strides = array<i32>} : memref<128xi32, #tpu.memory_space<vmem>>, vector<16xi32>,
    tpu.vector_store %arg8[%swap3A_276], %select_n3A_275 {strides = array<i32>} : memref<128xi32, #tpu.memory_space<vmem>>, vector<16xi32>,
    %convert_element_type3A_278 = arith.extui %gt3A_240 : vector<16xi1> to vector<16xi32>
    %convert_element_type3A_279 = arith.sitofp %convert_element_type3A_278 : vector<16xi32> to vector<16xf32>
    %add3A_280 = arith.addf %add3A_225, %convert_element_type3A_279 : vector<16xf32>
    %convert_element_type3A_281 = arith.extui %and3A_272 : vector<16xi1> to vector<16xi32>
    %convert_element_type3A_282 = arith.sitofp %convert_element_type3A_281 : vector<16xi32> to vector<16xf32>
    %add3A_283 = arith.addf %add3A_280, %convert_element_type3A_282 : vector<16xf32>
    %add3A_284 = arith.constant 80 : i32
    %add3A_285 = vector.broadcast %add3A_284 : i32 to vector<16xi32>
    %add3A_286 = arith.addi %iota3A, %add3A_285 : vector<16xi32>
    %get3A_287 = arith.constant 80 : index
    %get3A_288 = tpu.vector_load %arg6[%get3A_287] {strides = array<i32>} : memref<128xi32, #tpu.memory_space<vmem>>, vector<16xi32>,
    %sub3A_289 = arith.constant 1 : i32
    %sub3A_290 = vector.broadcast %sub3A_289 : i32 to vector<16xi32>
    %sub3A_291 = arith.subi %add3A_286, %sub3A_290 : vector<16xi32>
    %max3A_292 = arith.constant 0 : i32
    %max3A_293 = vector.broadcast %max3A_292 : i32 to vector<16xi32>
    %max3A_294 = arith.maxsi %sub3A_291, %max3A_293 : vector<16xi32>
    %gather3A_295 = tpu.vector_load_idx %arg6[%max3A_294] : memref<128xi32, #tpu.memory_space<vmem>>[vector<16xi32>], vector<16xi32>,
    %gt3A_296 = arith.constant 10000 : i32
    %gt3A_297 = vector.broadcast %gt3A_296 : i32 to vector<16xi32>
    %gt3A_298 = arith.cmpi sgt, %get3A_288, %gt3A_297 : vector<16xi32>
    %jit3A_299 = arith.constant 32 : i32
    %eq3A_300 = arith.constant 0 : i32
    %eq3A_301 = arith.cmpi eq, %jit3A_299, %eq3A_300 : i32
    %jit3A_302 = arith.constant 1 : i32
    %select_n3A_303 = arith.select %eq3A_301, %jit3A_302, %jit3A_299 : i32
    %rem3A_304 = vector.broadcast %select_n3A_303 : i32 to vector<16xi32>
    %rem3A_305 = arith.remsi %add3A_286, %rem3A_304 : vector<16xi32>
    %ne3A_306 = arith.constant 0 : i32
    %ne3A_307 = vector.broadcast %ne3A_306 : i32 to vector<16xi32>
    %ne3A_308 = arith.cmpi ne, %rem3A_305, %ne3A_307 : vector<16xi32>
    %lt3A_309 = arith.constant 0 : i32
    %lt3A_310 = vector.broadcast %lt3A_309 : i32 to vector<16xi32>
    %lt3A_311 = arith.cmpi slt, %rem3A_305, %lt3A_310 : vector<16xi32>
    %lt3A_312 = arith.constant 0 : i32
    %lt3A_313 = arith.cmpi slt, %select_n3A_303, %lt3A_312 : i32
    %ne3A_314 = vector.broadcast %lt3A_313 : i1 to vector<16xi1>
    %ne3A_315 = vector.broadcast %ne3A_314 : vector<16xi1> to vector<16xi1>
    %ne3A_316 = arith.xori %lt3A_311, %ne3A_315 : vector<16xi1>
    %and3A_317 = arith.andi %ne3A_316, %ne3A_308 : vector<16xi1>
    %add3A_318 = vector.broadcast %select_n3A_303 : i32 to vector<16xi32>
    %add3A_319 = arith.addi %rem3A_305, %add3A_318 : vector<16xi32>
    %select_n3A_320 = arith.select %and3A_317, %add3A_319, %rem3A_305 : vector<16xi1>, vector<16xi32>
    %eq3A_321 = arith.constant 0 : i32
    %eq3A_322 = vector.broadcast %eq3A_321 : i32 to vector<16xi32>
    %eq3A_323 = arith.cmpi eq, %select_n3A_320, %eq3A_322 : vector<16xi32>
    %gt3A_324 = arith.constant 0 : i32
    %gt3A_325 = vector.broadcast %gt3A_324 : i32 to vector<16xi32>
    %gt3A_326 = arith.cmpi sgt, %gather3A_295, %gt3A_325 : vector<16xi32>
    %or3A_327 = arith.ori %eq3A_323, %gt3A_326 : vector<16xi1>
    %not3A_328 = arith.constant dense<true> : vector<16xi1>
    %not3A_329 = arith.xori %gt3A_298, %not3A_328 : vector<16xi1>
    %and3A_330 = arith.andi %or3A_327, %not3A_329 : vector<16xi1>
    %jit3A_331 = arith.constant 0 : i32
    %broadcast_in_dim3A_332 = vector.broadcast %jit3A_331 : i32 to vector<16xi32>
    %select_n3A_333 = arith.select %gt3A_298, %broadcast_in_dim3A_332, %get3A_288 : vector<16xi1>, vector<16xi32>
    %swap3A_334 = arith.constant 80 : index
    %swap3A_335 = tpu.vector_load %arg8[%swap3A_334] {strides = array<i32>} : memref<128xi32, #tpu.memory_space<vmem>>, vector<16xi32>,
    tpu.vector_store %arg8[%swap3A_334], %select_n3A_333 {strides = array<i32>} : memref<128xi32, #tpu.memory_space<vmem>>, vector<16xi32>,
    %convert_element_type3A_336 = arith.extui %gt3A_298 : vector<16xi1> to vector<16xi32>
    %convert_element_type3A_337 = arith.sitofp %convert_element_type3A_336 : vector<16xi32> to vector<16xf32>
    %add3A_338 = arith.addf %add3A_283, %convert_element_type3A_337 : vector<16xf32>
    %convert_element_type3A_339 = arith.extui %and3A_330 : vector<16xi1> to vector<16xi32>
    %convert_element_type3A_340 = arith.sitofp %convert_element_type3A_339 : vector<16xi32> to vector<16xf32>
    %add3A_341 = arith.addf %add3A_338, %convert_element_type3A_340 : vector<16xf32>
    %add3A_342 = arith.constant 96 : i32
    %add3A_343 = vector.broadcast %add3A_342 : i32 to vector<16xi32>
    %add3A_344 = arith.addi %iota3A, %add3A_343 : vector<16xi32>
    %get3A_345 = arith.constant 96 : index
    %get3A_346 = tpu.vector_load %arg6[%get3A_345] {strides = array<i32>} : memref<128xi32, #tpu.memory_space<vmem>>, vector<16xi32>,
    %sub3A_347 = arith.constant 1 : i32
    %sub3A_348 = vector.broadcast %sub3A_347 : i32 to vector<16xi32>
    %sub3A_349 = arith.subi %add3A_344, %sub3A_348 : vector<16xi32>
    %max3A_350 = arith.constant 0 : i32
    %max3A_351 = vector.broadcast %max3A_350 : i32 to vector<16xi32>
    %max3A_352 = arith.maxsi %sub3A_349, %max3A_351 : vector<16xi32>
    %gather3A_353 = tpu.vector_load_idx %arg6[%max3A_352] : memref<128xi32, #tpu.memory_space<vmem>>[vector<16xi32>], vector<16xi32>,
    %gt3A_354 = arith.constant 10000 : i32
    %gt3A_355 = vector.broadcast %gt3A_354 : i32 to vector<16xi32>
    %gt3A_356 = arith.cmpi sgt, %get3A_346, %gt3A_355 : vector<16xi32>
    %jit3A_357 = arith.constant 32 : i32
    %eq3A_358 = arith.constant 0 : i32
    %eq3A_359 = arith.cmpi eq, %jit3A_357, %eq3A_358 : i32
    %jit3A_360 = arith.constant 1 : i32
    %select_n3A_361 = arith.select %eq3A_359, %jit3A_360, %jit3A_357 : i32
    %rem3A_362 = vector.broadcast %select_n3A_361 : i32 to vector<16xi32>
    %rem3A_363 = arith.remsi %add3A_344, %rem3A_362 : vector<16xi32>
    %ne3A_364 = arith.constant 0 : i32
    %ne3A_365 = vector.broadcast %ne3A_364 : i32 to vector<16xi32>
    %ne3A_366 = arith.cmpi ne, %rem3A_363, %ne3A_365 : vector<16xi32>
    %lt3A_367 = arith.constant 0 : i32
    %lt3A_368 = vector.broadcast %lt3A_367 : i32 to vector<16xi32>
    %lt3A_369 = arith.cmpi slt, %rem3A_363, %lt3A_368 : vector<16xi32>
    %lt3A_370 = arith.constant 0 : i32
    %lt3A_371 = arith.cmpi slt, %select_n3A_361, %lt3A_370 : i32
    %ne3A_372 = vector.broadcast %lt3A_371 : i1 to vector<16xi1>
    %ne3A_373 = vector.broadcast %ne3A_372 : vector<16xi1> to vector<16xi1>
    %ne3A_374 = arith.xori %lt3A_369, %ne3A_373 : vector<16xi1>
    %and3A_375 = arith.andi %ne3A_374, %ne3A_366 : vector<16xi1>
    %add3A_376 = vector.broadcast %select_n3A_361 : i32 to vector<16xi32>
    %add3A_377 = arith.addi %rem3A_363, %add3A_376 : vector<16xi32>
    %select_n3A_378 = arith.select %and3A_375, %add3A_377, %rem3A_363 : vector<16xi1>, vector<16xi32>
    %eq3A_379 = arith.constant 0 : i32
    %eq3A_380 = vector.broadcast %eq3A_379 : i32 to vector<16xi32>
    %eq3A_381 = arith.cmpi eq, %select_n3A_378, %eq3A_380 : vector<16xi32>
    %gt3A_382 = arith.constant 0 : i32
    %gt3A_383 = vector.broadcast %gt3A_382 : i32 to vector<16xi32>
    %gt3A_384 = arith.cmpi sgt, %gather3A_353, %gt3A_383 : vector<16xi32>
    %or3A_385 = arith.ori %eq3A_381, %gt3A_384 : vector<16xi1>
    %not3A_386 = arith.constant dense<true> : vector<16xi1>
    %not3A_387 = arith.xori %gt3A_356, %not3A_386 : vector<16xi1>
    %and3A_388 = arith.andi %or3A_385, %not3A_387 : vector<16xi1>
    %jit3A_389 = arith.constant 0 : i32
    %broadcast_in_dim3A_390 = vector.broadcast %jit3A_389 : i32 to vector<16xi32>
    %select_n3A_391 = arith.select %gt3A_356, %broadcast_in_dim3A_390, %get3A_346 : vector<16xi1>, vector<16xi32>
    %swap3A_392 = arith.constant 96 : index
    %swap3A_393 = tpu.vector_load %arg8[%swap3A_392] {strides = array<i32>} : memref<128xi32, #tpu.memory_space<vmem>>, vector<16xi32>,
    tpu.vector_store %arg8[%swap3A_392], %select_n3A_391 {strides = array<i32>} : memref<128xi32, #tpu.memory_space<vmem>>, vector<16xi32>,
    %convert_element_type3A_394 = arith.extui %gt3A_356 : vector<16xi1> to vector<16xi32>
    %convert_element_type3A_395 = arith.sitofp %convert_element_type3A_394 : vector<16xi32> to vector<16xf32>
    %add3A_396 = arith.addf %add3A_341, %convert_element_type3A_395 : vector<16xf32>
    %convert_element_type3A_397 = arith.extui %and3A_388 : vector<16xi1> to vector<16xi32>
    %convert_element_type3A_398 = arith.sitofp %convert_element_type3A_397 : vector<16xi32> to vector<16xf32>
    %add3A_399 = arith.addf %add3A_396, %convert_element_type3A_398 : vector<16xf32>
    %add3A_400 = arith.constant 112 : i32
    %add3A_401 = vector.broadcast %add3A_400 : i32 to vector<16xi32>
    %add3A_402 = arith.addi %iota3A, %add3A_401 : vector<16xi32>
    %get3A_403 = arith.constant 112 : index
    %get3A_404 = tpu.vector_load %arg6[%get3A_403] {strides = array<i32>} : memref<128xi32, #tpu.memory_space<vmem>>, vector<16xi32>,
    %sub3A_405 = arith.constant 1 : i32
    %sub3A_406 = vector.broadcast %sub3A_405 : i32 to vector<16xi32>
    %sub3A_407 = arith.subi %add3A_402, %sub3A_406 : vector<16xi32>
    %max3A_408 = arith.constant 0 : i32
    %max3A_409 = vector.broadcast %max3A_408 : i32 to vector<16xi32>
    %max3A_410 = arith.maxsi %sub3A_407, %max3A_409 : vector<16xi32>
    %gather3A_411 = tpu.vector_load_idx %arg6[%max3A_410] : memref<128xi32, #tpu.memory_space<vmem>>[vector<16xi32>], vector<16xi32>,
    %gt3A_412 = arith.constant 10000 : i32
    %gt3A_413 = vector.broadcast %gt3A_412 : i32 to vector<16xi32>
    %gt3A_414 = arith.cmpi sgt, %get3A_404, %gt3A_413 : vector<16xi32>
    %jit3A_415 = arith.constant 32 : i32
    %eq3A_416 = arith.constant 0 : i32
    %eq3A_417 = arith.cmpi eq, %jit3A_415, %eq3A_416 : i32
    %jit3A_418 = arith.constant 1 : i32
    %select_n3A_419 = arith.select %eq3A_417, %jit3A_418, %jit3A_415 : i32
    %rem3A_420 = vector.broadcast %select_n3A_419 : i32 to vector<16xi32>
    %rem3A_421 = arith.remsi %add3A_402, %rem3A_420 : vector<16xi32>
    %ne3A_422 = arith.constant 0 : i32
    %ne3A_423 = vector.broadcast %ne3A_422 : i32 to vector<16xi32>
    %ne3A_424 = arith.cmpi ne, %rem3A_421, %ne3A_423 : vector<16xi32>
    %lt3A_425 = arith.constant 0 : i32
    %lt3A_426 = vector.broadcast %lt3A_425 : i32 to vector<16xi32>
    %lt3A_427 = arith.cmpi slt, %rem3A_421, %lt3A_426 : vector<16xi32>
    %lt3A_428 = arith.constant 0 : i32
    %lt3A_429 = arith.cmpi slt, %select_n3A_419, %lt3A_428 : i32
    %ne3A_430 = vector.broadcast %lt3A_429 : i1 to vector<16xi1>
    %ne3A_431 = vector.broadcast %ne3A_430 : vector<16xi1> to vector<16xi1>
    %ne3A_432 = arith.xori %lt3A_427, %ne3A_431 : vector<16xi1>
    %and3A_433 = arith.andi %ne3A_432, %ne3A_424 : vector<16xi1>
    %add3A_434 = vector.broadcast %select_n3A_419 : i32 to vector<16xi32>
    %add3A_435 = arith.addi %rem3A_421, %add3A_434 : vector<16xi32>
    %select_n3A_436 = arith.select %and3A_433, %add3A_435, %rem3A_421 : vector<16xi1>, vector<16xi32>
    %eq3A_437 = arith.constant 0 : i32
    %eq3A_438 = vector.broadcast %eq3A_437 : i32 to vector<16xi32>
    %eq3A_439 = arith.cmpi eq, %select_n3A_436, %eq3A_438 : vector<16xi32>
    %gt3A_440 = arith.constant 0 : i32
    %gt3A_441 = vector.broadcast %gt3A_440 : i32 to vector<16xi32>
    %gt3A_442 = arith.cmpi sgt, %gather3A_411, %gt3A_441 : vector<16xi32>
    %or3A_443 = arith.ori %eq3A_439, %gt3A_442 : vector<16xi1>
    %not3A_444 = arith.constant dense<true> : vector<16xi1>
    %not3A_445 = arith.xori %gt3A_414, %not3A_444 : vector<16xi1>
    %and3A_446 = arith.andi %or3A_443, %not3A_445 : vector<16xi1>
    %jit3A_447 = arith.constant 0 : i32
    %broadcast_in_dim3A_448 = vector.broadcast %jit3A_447 : i32 to vector<16xi32>
    %select_n3A_449 = arith.select %gt3A_414, %broadcast_in_dim3A_448, %get3A_404 : vector<16xi1>, vector<16xi32>
    %swap3A_450 = arith.constant 112 : index
    %swap3A_451 = tpu.vector_load %arg8[%swap3A_450] {strides = array<i32>} : memref<128xi32, #tpu.memory_space<vmem>>, vector<16xi32>,
    tpu.vector_store %arg8[%swap3A_450], %select_n3A_449 {strides = array<i32>} : memref<128xi32, #tpu.memory_space<vmem>>, vector<16xi32>,
    %convert_element_type3A_452 = arith.extui %gt3A_414 : vector<16xi1> to vector<16xi32>
    %convert_element_type3A_453 = arith.sitofp %convert_element_type3A_452 : vector<16xi32> to vector<16xf32>
    %add3A_454 = arith.addf %add3A_399, %convert_element_type3A_453 : vector<16xf32>
    %convert_element_type3A_455 = arith.extui %and3A_446 : vector<16xi1> to vector<16xi32>
    %convert_element_type3A_456 = arith.sitofp %convert_element_type3A_455 : vector<16xi32> to vector<16xf32>
    %add3A_457 = arith.addf %add3A_454, %convert_element_type3A_456 : vector<16xf32>
    %dma_start3A_458 = arith.constant 0 : i32
    %dma_start3A_459 = tpu.memref_slice %arg2[%dma_start3A_458, %mul3A_2] : memref<10001x4096xf32, #tpu.memory_space<hbm>> -> memref<10001x128xf32, #tpu.memory_space<hbm>>
    tpu.enqueue_indirect_dma source(%dma_start3A_459 : memref<10001x128xf32, #tpu.memory_space<hbm>>) target(%arg9 : memref<128x128xf32, #tpu.memory_space<vmem>>) offsets(%arg8 : memref<128xi32, #tpu.memory_space<vmem>>) semaphore(%arg13 : memref<!tpu.dma_semaphore, #tpu.memory_space<semaphore_mem>>)
    %dma_wait3A_460 = tpu.memref_slice %arg3[%mul3A_2] : memref<4096xf32, #tpu.memory_space<hbm>> -> memref<128xf32, #tpu.memory_space<hbm>>
    %dma_wait3A_461 = tpu.memref_slice %arg3[%mul3A_2] : memref<4096xf32, #tpu.memory_space<hbm>> -> memref<128xf32, #tpu.memory_space<hbm>>
    tpu.wait_dma2 semaphore(%arg12 : memref<!tpu.dma_semaphore, #tpu.memory_space<semaphore_mem>>) src(%dma_wait3A_461 : memref<128xf32, #tpu.memory_space<hbm>>) dst(%arg7 : memref<128xf32, #tpu.memory_space<vmem>>)
    %get3A_462 = arith.constant 0 : index
    %get3A_463 = tpu.vector_load %arg7[%get3A_462] {strides = array<i32>} : memref<128xf32, #tpu.memory_space<vmem>>, vector<16xf32>,
    %jit3A_464 = arith.constant 0.000000e+00 : f32
    %broadcast_in_dim3A_465 = vector.broadcast %jit3A_464 : f32 to vector<16xf32>
    %select_n3A_466 = arith.select %gt3A_19, %get3A_463, %broadcast_in_dim3A_465 : vector<16xi1>, vector<16xf32>
    %add3A_467 = arith.addf %broadcast_in_dim3A_7, %select_n3A_466 : vector<16xf32>
    %get3A_468 = arith.constant 16 : index
    %get3A_469 = tpu.vector_load %arg7[%get3A_468] {strides = array<i32>} : memref<128xf32, #tpu.memory_space<vmem>>, vector<16xf32>,
    %jit3A_470 = arith.constant 0.000000e+00 : f32
    %broadcast_in_dim3A_471 = vector.broadcast %jit3A_470 : f32 to vector<16xf32>
    %select_n3A_472 = arith.select %gt3A_66, %get3A_469, %broadcast_in_dim3A_471 : vector<16xi1>, vector<16xf32>
    %add3A_473 = arith.addf %add3A_467, %select_n3A_472 : vector<16xf32>
    %get3A_474 = arith.constant 32 : index
    %get3A_475 = tpu.vector_load %arg7[%get3A_474] {strides = array<i32>} : memref<128xf32, #tpu.memory_space<vmem>>, vector<16xf32>,
    %jit3A_476 = arith.constant 0.000000e+00 : f32
    %broadcast_in_dim3A_477 = vector.broadcast %jit3A_476 : f32 to vector<16xf32>
    %select_n3A_478 = arith.select %gt3A_124, %get3A_475, %broadcast_in_dim3A_477 : vector<16xi1>, vector<16xf32>
    %add3A_479 = arith.addf %add3A_473, %select_n3A_478 : vector<16xf32>
    %get3A_480 = arith.constant 48 : index
    %get3A_481 = tpu.vector_load %arg7[%get3A_480] {strides = array<i32>} : memref<128xf32, #tpu.memory_space<vmem>>, vector<16xf32>,
    %jit3A_482 = arith.constant 0.000000e+00 : f32
    %broadcast_in_dim3A_483 = vector.broadcast %jit3A_482 : f32 to vector<16xf32>
    %select_n3A_484 = arith.select %gt3A_182, %get3A_481, %broadcast_in_dim3A_483 : vector<16xi1>, vector<16xf32>
    %add3A_485 = arith.addf %add3A_479, %select_n3A_484 : vector<16xf32>
    %get3A_486 = arith.constant 64 : index
    %get3A_487 = tpu.vector_load %arg7[%get3A_486] {strides = array<i32>} : memref<128xf32, #tpu.memory_space<vmem>>, vector<16xf32>,
    %jit3A_488 = arith.constant 0.000000e+00 : f32
    %broadcast_in_dim3A_489 = vector.broadcast %jit3A_488 : f32 to vector<16xf32>
    %select_n3A_490 = arith.select %gt3A_240, %get3A_487, %broadcast_in_dim3A_489 : vector<16xi1>, vector<16xf32>
    %add3A_491 = arith.addf %add3A_485, %select_n3A_490 : vector<16xf32>
    %get3A_492 = arith.constant 80 : index
    %get3A_493 = tpu.vector_load %arg7[%get3A_492] {strides = array<i32>} : memref<128xf32, #tpu.memory_space<vmem>>, vector<16xf32>,
    %jit3A_494 = arith.constant 0.000000e+00 : f32
    %broadcast_in_dim3A_495 = vector.broadcast %jit3A_494 : f32 to vector<16xf32>
    %select_n3A_496 = arith.select %gt3A_298, %get3A_493, %broadcast_in_dim3A_495 : vector<16xi1>, vector<16xf32>
    %add3A_497 = arith.addf %add3A_491, %select_n3A_496 : vector<16xf32>
    %get3A_498 = arith.constant 96 : index
    %get3A_499 = tpu.vector_load %arg7[%get3A_498] {strides = array<i32>} : memref<128xf32, #tpu.memory_space<vmem>>, vector<16xf32>,
    %jit3A_500 = arith.constant 0.000000e+00 : f32
    %broadcast_in_dim3A_501 = vector.broadcast %jit3A_500 : f32 to vector<16xf32>
    %select_n3A_502 = arith.select %gt3A_356, %get3A_499, %broadcast_in_dim3A_501 : vector<16xi1>, vector<16xf32>
    %add3A_503 = arith.addf %add3A_497, %select_n3A_502 : vector<16xf32>
    %get3A_504 = arith.constant 112 : index
    %get3A_505 = tpu.vector_load %arg7[%get3A_504] {strides = array<i32>} : memref<128xf32, #tpu.memory_space<vmem>>, vector<16xf32>,
    %jit3A_506 = arith.constant 0.000000e+00 : f32
    %broadcast_in_dim3A_507 = vector.broadcast %jit3A_506 : f32 to vector<16xf32>
    %select_n3A_508 = arith.select %gt3A_414, %get3A_505, %broadcast_in_dim3A_507 : vector<16xi1>, vector<16xf32>
    %add3A_509 = arith.addf %add3A_503, %select_n3A_508 : vector<16xf32>
    %dma_wait3A_510 = arith.constant 0 : i32
    %dma_wait3A_511 = tpu.memref_slice %arg2[%dma_wait3A_510, %mul3A_2] : memref<10001x4096xf32, #tpu.memory_space<hbm>> -> memref<10001x128xf32, #tpu.memory_space<hbm>>
    tpu.wait_indirect_dma semaphore(%arg13 : memref<!tpu.dma_semaphore, #tpu.memory_space<semaphore_mem>>) src(%dma_wait3A_511 : memref<10001x128xf32, #tpu.memory_space<hbm>>) dst(%arg9 : memref<128x128xf32, #tpu.memory_space<vmem>>)
    %add3A_512 = arith.constant 0 : i32
    %add3A_513 = vector.broadcast %add3A_512 : i32 to vector<16xi32>
    %add3A_514 = arith.addi %iota3A, %add3A_513 : vector<16xi32>
    %gather3A_515 = tpu.vector_load_idx %arg9[%add3A_514, %add3A_514] : memref<128x128xf32, #tpu.memory_space<vmem>>[vector<16xi32>, vector<16xi32>], vector<16xf32>,
    %jit3A_516 = arith.constant 0.000000e+00 : f32
    %broadcast_in_dim3A_517 = vector.broadcast %jit3A_516 : f32 to vector<16xf32>
    %select_n3A_518 = arith.select %and3A_42, %gather3A_515, %broadcast_in_dim3A_517 : vector<16xi1>, vector<16xf32>
    %add3A_519 = arith.addf %add3A_509, %select_n3A_518 : vector<16xf32>
    %add3A_520 = arith.constant 16 : i32
    %add3A_521 = vector.broadcast %add3A_520 : i32 to vector<16xi32>
    %add3A_522 = arith.addi %iota3A, %add3A_521 : vector<16xi32>
    %gather3A_523 = tpu.vector_load_idx %arg9[%add3A_522, %add3A_522] : memref<128x128xf32, #tpu.memory_space<vmem>>[vector<16xi32>, vector<16xi32>], vector<16xf32>,
    %jit3A_524 = arith.constant 0.000000e+00 : f32
    %broadcast_in_dim3A_525 = vector.broadcast %jit3A_524 : f32 to vector<16xf32>
    %select_n3A_526 = arith.select %and3A_98, %gather3A_523, %broadcast_in_dim3A_525 : vector<16xi1>, vector<16xf32>
    %add3A_527 = arith.addf %add3A_519, %select_n3A_526 : vector<16xf32>
    %add3A_528 = arith.constant 32 : i32
    %add3A_529 = vector.broadcast %add3A_528 : i32 to vector<16xi32>
    %add3A_530 = arith.addi %iota3A, %add3A_529 : vector<16xi32>
    %gather3A_531 = tpu.vector_load_idx %arg9[%add3A_530, %add3A_530] : memref<128x128xf32, #tpu.memory_space<vmem>>[vector<16xi32>, vector<16xi32>], vector<16xf32>,
    %jit3A_532 = arith.constant 0.000000e+00 : f32
    %broadcast_in_dim3A_533 = vector.broadcast %jit3A_532 : f32 to vector<16xf32>
    %select_n3A_534 = arith.select %and3A_156, %gather3A_531, %broadcast_in_dim3A_533 : vector<16xi1>, vector<16xf32>
    %add3A_535 = arith.addf %add3A_527, %select_n3A_534 : vector<16xf32>
    %add3A_536 = arith.constant 48 : i32
    %add3A_537 = vector.broadcast %add3A_536 : i32 to vector<16xi32>
    %add3A_538 = arith.addi %iota3A, %add3A_537 : vector<16xi32>
    %gather3A_539 = tpu.vector_load_idx %arg9[%add3A_538, %add3A_538] : memref<128x128xf32, #tpu.memory_space<vmem>>[vector<16xi32>, vector<16xi32>], vector<16xf32>,
    %jit3A_540 = arith.constant 0.000000e+00 : f32
    %broadcast_in_dim3A_541 = vector.broadcast %jit3A_540 : f32 to vector<16xf32>
    %select_n3A_542 = arith.select %and3A_214, %gather3A_539, %broadcast_in_dim3A_541 : vector<16xi1>, vector<16xf32>
    %add3A_543 = arith.addf %add3A_535, %select_n3A_542 : vector<16xf32>
    %add3A_544 = arith.constant 64 : i32
    %add3A_545 = vector.broadcast %add3A_544 : i32 to vector<16xi32>
    %add3A_546 = arith.addi %iota3A, %add3A_545 : vector<16xi32>
    %gather3A_547 = tpu.vector_load_idx %arg9[%add3A_546, %add3A_546] : memref<128x128xf32, #tpu.memory_space<vmem>>[vector<16xi32>, vector<16xi32>], vector<16xf32>,
    %jit3A_548 = arith.constant 0.000000e+00 : f32
    %broadcast_in_dim3A_549 = vector.broadcast %jit3A_548 : f32 to vector<16xf32>
    %select_n3A_550 = arith.select %and3A_272, %gather3A_547, %broadcast_in_dim3A_549 : vector<16xi1>, vector<16xf32>
    %add3A_551 = arith.addf %add3A_543, %select_n3A_550 : vector<16xf32>
    %add3A_552 = arith.constant 80 : i32
    %add3A_553 = vector.broadcast %add3A_552 : i32 to vector<16xi32>
    %add3A_554 = arith.addi %iota3A, %add3A_553 : vector<16xi32>
    %gather3A_555 = tpu.vector_load_idx %arg9[%add3A_554, %add3A_554] : memref<128x128xf32, #tpu.memory_space<vmem>>[vector<16xi32>, vector<16xi32>], vector<16xf32>,
    %jit3A_556 = arith.constant 0.000000e+00 : f32
    %broadcast_in_dim3A_557 = vector.broadcast %jit3A_556 : f32 to vector<16xf32>
    %select_n3A_558 = arith.select %and3A_330, %gather3A_555, %broadcast_in_dim3A_557 : vector<16xi1>, vector<16xf32>
    %add3A_559 = arith.addf %add3A_551, %select_n3A_558 : vector<16xf32>
    %add3A_560 = arith.constant 96 : i32
    %add3A_561 = vector.broadcast %add3A_560 : i32 to vector<16xi32>
    %add3A_562 = arith.addi %iota3A, %add3A_561 : vector<16xi32>
    %gather3A_563 = tpu.vector_load_idx %arg9[%add3A_562, %add3A_562] : memref<128x128xf32, #tpu.memory_space<vmem>>[vector<16xi32>, vector<16xi32>], vector<16xf32>,
    %jit3A_564 = arith.constant 0.000000e+00 : f32
    %broadcast_in_dim3A_565 = vector.broadcast %jit3A_564 : f32 to vector<16xf32>
    %select_n3A_566 = arith.select %and3A_388, %gather3A_563, %broadcast_in_dim3A_565 : vector<16xi1>, vector<16xf32>
    %add3A_567 = arith.addf %add3A_559, %select_n3A_566 : vector<16xf32>
    %add3A_568 = arith.constant 112 : i32
    %add3A_569 = vector.broadcast %add3A_568 : i32 to vector<16xi32>
    %add3A_570 = arith.addi %iota3A, %add3A_569 : vector<16xi32>
    %gather3A_571 = tpu.vector_load_idx %arg9[%add3A_570, %add3A_570] : memref<128x128xf32, #tpu.memory_space<vmem>>[vector<16xi32>, vector<16xi32>], vector<16xf32>,
    %jit3A_572 = arith.constant 0.000000e+00 : f32
    %broadcast_in_dim3A_573 = vector.broadcast %jit3A_572 : f32 to vector<16xf32>
    %select_n3A_574 = arith.select %and3A_446, %gather3A_571, %broadcast_in_dim3A_573 : vector<16xi1>, vector<16xf32>
    %add3A_575 = arith.addf %add3A_567, %select_n3A_574 : vector<16xf32>
    %swap3A_576 = arith.constant 0 : index
    %swap3A_577 = tpu.vector_load %arg10[%swap3A_576] {strides = array<i32>} : memref<32xf32, #tpu.memory_space<vmem>>, vector<16xf32>,
    tpu.vector_store %arg10[%swap3A_576], %add3A_575 {strides = array<i32>} : memref<32xf32, #tpu.memory_space<vmem>>, vector<16xf32>,
    %swap3A_578 = arith.constant 16 : index
    %swap3A_579 = tpu.vector_load %arg10[%swap3A_578] {strides = array<i32>} : memref<32xf32, #tpu.memory_space<vmem>>, vector<16xf32>,
    tpu.vector_store %arg10[%swap3A_578], %add3A_457 {strides = array<i32>} : memref<32xf32, #tpu.memory_space<vmem>>, vector<16xf32>,
    %mul3A_580 = arith.constant 16 : i32
    %mul3A_581 = arith.muli %add3A, %mul3A_580 : i32
    "tpu.region"() ({
      %run_scoped3A = tpu.sem_alloc : memref<!tpu.dma_semaphore, #tpu.memory_space<semaphore_mem>>
      %dma_start3A_586 = arith.constant 0 : i32
      %dma_start3A_587 = tpu.memref_slice %arg10[%dma_start3A_586] : memref<32xf32, #tpu.memory_space<vmem>> -> memref<16xf32, #tpu.memory_space<vmem>>
      %dma_start3A_588 = tpu.memref_slice %arg5[%mul3A_581] : memref<1024xf32, #tpu.memory_space<hbm>> -> memref<16xf32, #tpu.memory_space<hbm>>
      %dma_start3A_589 = tpu.memref_slice %arg5[%mul3A_581] : memref<1024xf32, #tpu.memory_space<hbm>> -> memref<16xf32, #tpu.memory_space<hbm>>
      %dma_start3A_590 = arith.constant 0 : i32
      %dma_start3A_591 = tpu.memref_slice %arg10[%dma_start3A_590] : memref<32xf32, #tpu.memory_space<vmem>> -> memref<16xf32, #tpu.memory_space<vmem>>
      tpu.enqueue_dma source(%dma_start3A_591 : memref<16xf32, #tpu.memory_space<vmem>>) target(%dma_start3A_589 : memref<16xf32, #tpu.memory_space<hbm>>) target_semaphore(%run_scoped3A : memref<!tpu.dma_semaphore, #tpu.memory_space<semaphore_mem>>)
      %dma_wait3A_592 = arith.constant 0 : i32
      %dma_wait3A_593 = tpu.memref_slice %arg10[%dma_wait3A_592] : memref<32xf32, #tpu.memory_space<vmem>> -> memref<16xf32, #tpu.memory_space<vmem>>
      %dma_wait3A_594 = tpu.memref_slice %arg5[%mul3A_581] : memref<1024xf32, #tpu.memory_space<hbm>> -> memref<16xf32, #tpu.memory_space<hbm>>
      %dma_wait3A_595 = tpu.memref_slice %arg5[%mul3A_581] : memref<1024xf32, #tpu.memory_space<hbm>> -> memref<16xf32, #tpu.memory_space<hbm>>
      %dma_wait3A_596 = arith.constant 0 : i32
      %dma_wait3A_597 = tpu.memref_slice %arg10[%dma_wait3A_596] : memref<32xf32, #tpu.memory_space<vmem>> -> memref<16xf32, #tpu.memory_space<vmem>>
      tpu.wait_dma2 semaphore(%run_scoped3A : memref<!tpu.dma_semaphore, #tpu.memory_space<semaphore_mem>>) src(%dma_wait3A_597 : memref<16xf32, #tpu.memory_space<vmem>>) dst(%dma_wait3A_595 : memref<16xf32, #tpu.memory_space<hbm>>)
      tpu.yield
    }) : () -> ()
    %mul3A_582 = arith.constant 16 : i32
    %mul3A_583 = arith.muli %add3A, %mul3A_582 : i32
    %add3A_584 = arith.constant 512 : i32
    %add3A_585 = arith.addi %add3A_584, %mul3A_583 : i32
    "tpu.region"() ({
      %run_scoped3A = tpu.sem_alloc : memref<!tpu.dma_semaphore, #tpu.memory_space<semaphore_mem>>
      %dma_start3A_586 = arith.constant 16 : i32
      %dma_start3A_587 = tpu.memref_slice %arg10[%dma_start3A_586] : memref<32xf32, #tpu.memory_space<vmem>> -> memref<16xf32, #tpu.memory_space<vmem>>
      %dma_start3A_588 = tpu.memref_slice %arg5[%add3A_585] : memref<1024xf32, #tpu.memory_space<hbm>> -> memref<16xf32, #tpu.memory_space<hbm>>
      %dma_start3A_589 = tpu.memref_slice %arg5[%add3A_585] : memref<1024xf32, #tpu.memory_space<hbm>> -> memref<16xf32, #tpu.memory_space<hbm>>
      %dma_start3A_590 = arith.constant 16 : i32
      %dma_start3A_591 = tpu.memref_slice %arg10[%dma_start3A_590] : memref<32xf32, #tpu.memory_space<vmem>> -> memref<16xf32, #tpu.memory_space<vmem>>
      tpu.enqueue_dma source(%dma_start3A_591 : memref<16xf32, #tpu.memory_space<vmem>>) target(%dma_start3A_589 : memref<16xf32, #tpu.memory_space<hbm>>) target_semaphore(%run_scoped3A : memref<!tpu.dma_semaphore, #tpu.memory_space<semaphore_mem>>)
      %dma_wait3A_592 = arith.constant 16 : i32
      %dma_wait3A_593 = tpu.memref_slice %arg10[%dma_wait3A_592] : memref<32xf32, #tpu.memory_space<vmem>> -> memref<16xf32, #tpu.memory_space<vmem>>
      %dma_wait3A_594 = tpu.memref_slice %arg5[%add3A_585] : memref<1024xf32, #tpu.memory_space<hbm>> -> memref<16xf32, #tpu.memory_space<hbm>>
      %dma_wait3A_595 = tpu.memref_slice %arg5[%add3A_585] : memref<1024xf32, #tpu.memory_space<hbm>> -> memref<16xf32, #tpu.memory_space<hbm>>
      %dma_wait3A_596 = arith.constant 16 : i32
      %dma_wait3A_597 = tpu.memref_slice %arg10[%dma_wait3A_596] : memref<32xf32, #tpu.memory_space<vmem>> -> memref<16xf32, #tpu.memory_space<vmem>>
      tpu.wait_dma2 semaphore(%run_scoped3A : memref<!tpu.dma_semaphore, #tpu.memory_space<semaphore_mem>>) src(%dma_wait3A_597 : memref<16xf32, #tpu.memory_space<vmem>>) dst(%dma_wait3A_595 : memref<16xf32, #tpu.memory_space<hbm>>)
      tpu.yield
    }) : () -> ()
    return
  }
}

</mosaic_0001>

<sc_bundles>
// kernel: kernel.3.cloned.1.call-start
scs
__scs_entry_jumppad:
0x0: {  	(pc) =	sbr.rel $0x88, $3  }
0x1: {  	(tag) =	ssettag $0x0;
	lr =	simm.s32 $0x1  }
0x2: {  	[smem:$0x3F9E] =	sst lr;
	_ =	strace $0xD0000000  }
0x3: {  	_ = 	snop  }
0x4: {  	_ = 	snop  }
0x5: {  	_ = 	snop  }
0x6: {  	_ = 	snop  }
0x7: {  	_ = 	snop  }
__scs_overlays_trampoline_lowered:
0x8: {  	[smem:$0x3FAD] =	sst s0  }
0x9: {  	[smem:$0x3FAE] =	sst s1  }
0xa: {  	[smem:$0x3FAF] =	sst s2  }
0xb: {  	[smem:$0x3FB0] =	sst s3  }
0xc: {  	[smem:$0x3FB1] =	sst s4  }
0xd: {  	[smem:$0x3FB2] =	sst s5  }
0xe: {  	[smem:$0x3FB3] =	sst s6  }
0xf: {  	[smem:$0x3FB4] =	sst s7  }
0x10: {  	[smem:$0x3FB5] =	sst s8  }
0x11: {  	[smem:$0x3FB6] =	sst s9;
	s0 =	simm.s32 @!p0 $0x0  }
0x12: {  	s1 =	sld [smem:$0x3F9C];
	s0 =	simm.s32 @p0 $0x1  }
0x13: {  	[smem:$0x3FB7] =	sst s0;
	s0 =	simm.s32 @!p1 $0x0  }
0x14: {  	s2 =	sld [smem:$0x3F9B];
	s0 =	simm.s32 @p1 $0x1  }
0x15: {  	[smem:$0x3FB8] =	sst s0;
	s0 =	simm.s32 @!p2 $0x0  }
0x16: {  	s3 =	sld [smem:$0x3FDB];
	s0 =	simm.s32 @p2 $0x1  }
0x17: {  	s4 =	simm.s32 $0x1BF5;
	[smem:$0x3FBA] =	sst s0  }
0x18: {  	s0 =	sld [smem:$0x3F9D];
	_ =	swait.ge [sflag:s4], $0x0  }
0x19: {  	s7 =	sld [smem:$0x3F9E]  }
0x1a: {  	s8 =	sadd.s32 $0xFFFFE003, lr  }
0x1b: {  	s9 =	sadd.s32 $0xFFFFFEF7, lr;
	s5 =	simm.s32 $0xFFFFFFFF;
	p2 =	slt.u32 s8, $0xFFFFF086  }
0x1c: {  	p1 =	slt.u32 s9, $0xF7A;
	s5 =	simm.s32 @!p2 $0x0  }
0x1d: {  	s5 =	simm.s32 @p1 $0x1;
	p0 =	seq.s32 s7, s2  }
0x1e: {  	s7 =	smul.u32 @!p0 $0xF7A, s2;
	p2 =	seq.s32 @!p0 s5, $0x0  }
0x1f: {  	s9 =	smul.u32 $0xF7A, s1;
	s8 =	simm.s32 @!p0 $0x1BF5;
	p2 =	por !p2, p0  }
0x20: {  	[sflag:s8] =	ssyncset.s32 @!p0 $0xFFFFF086;
	s6 =	sadd.s32 @!p0 s3, s7;
	s7 =	simm.s32 @!p0 $0x108  }
0x21: {  	s3 =	sadd.s32 s3, s9;
	s6 =	sadd.s32 @!p0 $0x88, s6;
	s7 =	simm.s32 @p2 $0x1082  }
0x22: {  	[simem:s7], [sflag:s8] =	dma.local @!p0 [hbm:s6], $0xF7A  }
0x23: {  	s9 =	sor.u32 $0xD0000000, s2;
	s6 =	simm.s32 $0x108;
	_ =	swait.ge @!p0 [sflag:s8], $0x0  }
0x24: {  	s3 =	sadd.s32 $0x88, s3;
	s6 =	simm.s32 @!p1 $0x1082;
	[sflag:s4] =	ssyncset.s32 $0xFFFFF086  }
0x25: {  	[simem:s6], [sflag:s4] =	dma.local [hbm:s3], $0xF7A  }
0x26: {  	[smem:$0x3F9E] =	sst s1;
	(tag) =	ssettag s2;
	_ =	strace s9  }
0x27: {  	s1 =	sld [smem:$0x3FAE]  }
0x28: {  	s2 =	sld [smem:$0x3FAF]  }
0x29: {  	s4 =	sld [smem:$0x3FB1]  }
0x2a: {  	p0 =	seq.s32 s5, $0x0;
	s5 =	sld [smem:$0x3FB2]  }
0x2b: {  	s6 =	sld [smem:$0x3FB3]  }
0x2c: {  	s7 =	sld [smem:$0x3FB4]  }
0x2d: {  	s3 =	simm.s32 $0x108;
	s8 =	sld [smem:$0x3FB5]  }
0x2e: {  	s3 =	simm.s32 @!p0 $0x1082;
	s9 =	sld [smem:$0x3FB6]  }
0x2f: {  	lr =	sadd.s32 s0, s3;
	s0 =	sld [smem:$0x3FAD]  }
0x30: {  	s3 =	sld [smem:$0x3FB0]  }
0x31: {  	[smem:$0x3FB9] =	sst s10  }
0x32: {  	s10 =	sld [smem:$0x3FB7];
	_ =	sdelay $0x3  }
0x33: {  	p0 =	seq.s32 s10, $0x1;
	s10 =	sld [smem:$0x3FB9];
	_ =	sdelay $0x3  }
0x34: {  	[smem:$0x3FB9] =	sst s10  }
0x35: {  	s10 =	sld [smem:$0x3FB8];
	_ =	sdelay $0x3  }
0x36: {  	p1 =	seq.s32 s10, $0x1;
	s10 =	sld [smem:$0x3FB9];
	_ =	sdelay $0x3  }
0x37: {  	[smem:$0x3FB9] =	sst s10  }
0x38: {  	s10 =	sld [smem:$0x3FBA]  }
0x39: {  	_ = 	snop;
	(pc) =	sbr.ind lr, $3  }
0x3a: {  	_ = 	snop  }
0x3b: {  	_ = 	snop  }
0x3c: {  	p2 =	seq.s32 s10, $0x1;
	s10 =	sld [smem:$0x3FB9]  }
0x3d: {  	_ =	shalt  }
0x3e: {  	_ =	shalt  }
0x3f: {  	_ =	shalt  }
0x40: {  	_ =	shalt  }
0x41: {  	_ =	shalt  }
0x42: {  	_ =	shalt  }
0x43: {  	_ =	shalt  }
0x44: {  	_ =	shalt  }
0x45: {  	_ =	shalt  }
0x46: {  	_ =	shalt  }
0x47: {  	_ =	shalt  }
0x48: {  	_ =	shalt  }
0x49: {  	_ =	shalt  }
0x4a: {  	_ =	shalt  }
0x4b: {  	_ =	shalt  }
0x4c: {  	_ =	shalt  }
0x4d: {  	_ =	shalt  }
0x4e: {  	_ =	shalt  }
0x4f: {  	_ =	shalt  }
0x50: {  	_ =	shalt  }
0x51: {  	_ =	shalt  }
0x52: {  	_ =	shalt  }
0x53: {  	_ =	shalt  }
0x54: {  	_ =	shalt  }
0x55: {  	_ =	shalt  }
0x56: {  	_ =	shalt  }
0x57: {  	_ =	shalt  }
0x58: {  	_ =	shalt  }
0x59: {  	_ =	shalt  }
0x5a: {  	_ =	shalt  }
0x5b: {  	_ =	shalt  }
0x5c: {  	_ =	shalt  }
0x5d: {  	_ =	shalt  }
0x5e: {  	_ =	shalt  }
0x5f: {  	_ =	shalt  }
0x60: {  	_ =	shalt  }
0x61: {  	_ =	shalt  }
0x62: {  	_ =	shalt  }
0x63: {  	_ =	shalt  }
0x64: {  	_ =	shalt  }
0x65: {  	_ =	shalt  }
0x66: {  	_ =	shalt  }
0x67: {  	_ =	shalt  }
0x68: {  	_ =	shalt  }
0x69: {  	_ =	shalt  }
0x6a: {  	_ =	shalt  }
0x6b: {  	_ =	shalt  }
0x6c: {  	_ =	shalt  }
0x6d: {  	_ =	shalt  }
0x6e: {  	_ =	shalt  }
0x6f: {  	_ =	shalt  }
0x70: {  	_ =	shalt  }
0x71: {  	_ =	shalt  }
0x72: {  	_ =	shalt  }
0x73: {  	_ =	shalt  }
0x74: {  	_ =	shalt  }
0x75: {  	_ =	shalt  }
0x76: {  	_ =	shalt  }
0x77: {  	_ =	shalt  }
0x78: {  	_ =	shalt  }
0x79: {  	_ =	shalt  }
0x7a: {  	_ =	shalt  }
0x7b: {  	_ =	shalt  }
0x7c: {  	_ =	shalt  }
0x7d: {  	_ =	shalt  }
0x7e: {  	_ =	shalt  }
0x7f: {  	_ =	shalt  }
0x80: {  	_ =	shalt  }
0x81: {  	_ =	shalt  }
0x82: {  	_ =	shalt  }
0x83: {  	_ =	shalt  }
0x84: {  	_ =	shalt  }
0x85: {  	_ =	shalt  }
0x86: {  	_ =	shalt  }
0x87: {  	_ =	shalt  }
.Lfunc_end0:
.L_simem_size_0:
called_computation_lowered:
.L_overlay_start_0:
0x88: {  	s2 =	sld [smem:$0x3FD9]  }
0x89: {  	s3 =	sld [smem:$0x3FFE];
	_ =	sdelay $0x1  }
0x8a: {  	s1 =	srdreg.scid  }
0x8b: {  	s0 =	sand.u32 $0x1, s1  }
0x8c: {  	s17 =	sshll.u32 s0, $0xA;
	s2 =	sadd.s32 s3, s2  }
0x8d: {  	s2 =	sadd.s32 s2, s17  }
0x8e: {  	[smem:$0x3FC5] =	sst s2  }
0x8f: {  	_ = 	snop  }
0x90: {  	s2 =	sld [smem:$0x3FC9]  }
0x91: {  	s18 =	sld [smem:$0x3FC8];
	(tm) =	ssettm $0x1  }
0x92: {  	s4 =	sld [smem:$0x3FFB];
	_ =	sdelay $0x3  }
0x93: {  	_ =	strace s4  }
0x94: {  	s4 =	sld [smem:$0x3FFC];
	_ =	sdelay $0x3  }
0x95: {  	_ =	strace s4  }
0x96: {  	s4 =	sld [smem:$0x3FFD];
	_ =	sdelay $0x3  }
0x97: {  	_ =	strace s4  }
0x98: {  	_ =	strace $0x8FFFFFFF  }
0x99: {  	s19 =	sld [smem:$0x3FDB];
	_ =	sdelay $0x1  }
0x9a: {  	s5 =	simm.s32 $_scs_section_size  }
0x9b: {  	s6 =	simm.s32 $_size__tile_overlayer_lowered;
	s7 =	simm.s32 $_tile_overlayer_lowered  }
0x9c: {  	s22 =	simm.s32 $0x1BFF;
	s21 =	sshll.u32 s7, $0x1;
	s4 =	sadd.s32 s5, s19  }
0x9d: {  	s8 =	simm.s32 $0x0;
	s20 =	sshll.u32 s6, $0x1;
	s6 =	sadd.s32 s21, s4  }
0x9e: {  	[timem:s8], [sflag:s22] =	dma.local [hbm:s6], s20  }
0x9f: {  	_ =	swait.ge [sflag:s22], s20  }
0xa0: {  	s5 =	ssub.s32 $0x0, s20;
	[sflag:s22] =	ssyncset.done $0x0  }
0xa1: {  	[sflag:s22] =	ssyncadd.s32 s5;
	_ =	sdelay $0x1  }
0xa2: {  	s23 =	simm.s32 $0x1B8B  }
0xa3: {  	_ =	swait.ge [sflag:s23], $0x1  }
0xa4: {  	[sflag:s23] =	ssyncset.done $0x0  }
0xa5: {  	s25 =	simm.s32 $0x1B8E;
	s24 =	sld [smem:$0x3FFE];
	[sflag:s23] =	ssyncadd.s32 $0xFFFFFFFF  }
0xa6: {  	s26 =	simm.s32 $execute0_lowered;
	[smem:$0x3FD2] =	sst s25  }
0xa7: {  	s6 =	sshll.u32 s26, $0x1;
	_ =	strace $0x80000046;
	[dreg:$0x1] =	wrdreg $0xFFFFFFFF  }
0xa8: {  	s28 =	simm.s32 $_size_execute0_lowered;
	s4 =	sadd.s32 s4, s6;
	[dreg:$0x0] =	wrdreg $0x0  }
0xa9: {  	s6 =	sshll.u32 s28, $0x1;
	[dreg:$0x2] =	wrdreg s4  }
0xaa: {  	[dreg:$0x3] =	wrdreg s6  }
0xab: {  	[dreg:$0x4] =	wrdreg $0xC0  }
0xac: {  	_ =	task [dreg:s8], $0x5FFFF  }
0xad: {  	[dreg:$0x1] =	wrdreg $0xFFFFFFFF  }
0xae: {  	[dreg:$0x0] =	wrdreg $0x60  }
0xaf: {  	[dreg:$0x2] =	wrdreg s2  }
0xb0: {  	[dreg:$0x3] =	wrdreg s18  }
0xb1: {  	[dreg:$0x4] =	wrdreg s24  }
0xb2: {  	[dreg:$0x5] =	wrdreg $0x9  }
0xb3: {  	_ =	task.clear_ibuf [dreg:s8], $0x6FFFF;
	_ =	strace $0x90000046  }
0xb4: {  	s29 =	simm.s32 $0x9;
	_ =	strace $0x80000048  }
0xb5: {  	_ =	swait.ge [sflag:s29], $0x1  }
0xb6: {  	[sflag:s29] =	ssyncadd.s32 $0xFFFFFFFF  }
0xb7: {  	_ =	strace $0x90000048  }
0xb8: {  	_ =	sfence  }
0xb9: {  	s30 =	sld [smem:$0x0];
	_ =	sdelay $0x2  }
0xba: {  	s31 =	sshll.u32 s1, $0xD;
	s1 =	sshrl.u32 s1, $0x2  }
0xbb: {  	s3 =	sand.u32 $0x4000, s31;
	s1 =	sadd.s32 s1, s30  }
0xbc: {  	s0 =	sor.u32 s3, s0;
	s1 =	sshll.u32 s1, $0x11  }
0xbd: {  	s0 =	sor.u32 s1, s0  }
0xbe: {  	s0 =	sadd.s32 $0x8F2B, s0  }
0xbf: {  	[sflag:s0] =	ssyncadd.remote.s32 $0x1  }
0xc0: {  	_ =	sfence.sel $0xFFFF  }
0xc1: {  	[dreg:$0x0] =	wrdreg $0xFFFFFFFF;
	(pc) =	sbr.abs _section_cstart, $3  }
0xc2: {  	[dreg:$0x1] =	wrdreg $0xFFFFFFFF  }
0xc3: {  	_ =	task.clear_ibuf [dreg:s8], $0x2FFFF;
	_ =	strace $0x9FFFFFFF  }
0xc4: {  	(tm) =	ssettm $0x7FFFFFFF  }
0xc5: {  	_ =	shalt  }
tec
execute0_lowered:
.L_overlay_start_1:
0x0: {  	(tag) =	ssettag $0x1  }
0x1: {  	s1 =	rddreg [dreg:$0x0]  }
0x2: {  	s5 =	rddreg [dreg:$0x1];
	s2 =	srdreg.scid  }
0x3: {  	s6 =	rddreg [dreg:$0x2];
	s4 =	sand.u32 $0x1, s2;
	s2 =	simm.s32 $0x0  }
0x4: {  	s10 =	simm.s32 $0x380;
	[smem:$0x7FF] =	sst s2  }
0x5: {  	s11 =	simm.s32 $0x400;
	_ =	strace $0x80000047;
	[dreg:$0xc] =	wrdreg s10  }
0x6: {  	s12 =	simm.s32 $0x480;
	[dreg:$0xd] =	wrdreg s11  }
0x7: {  	s13 =	simm.s32 $0x500;
	[dreg:$0xe] =	wrdreg s12  }
0x8: {  	s14 =	simm.s32 $0x580;
	[dreg:$0xf] =	wrdreg s13  }
0x9: {  	s15 =	simm.s32 $0x600;
	[dreg:$0x10] =	wrdreg s14  }
0xa: {  	s16 =	simm.s32 $0x680;
	[dreg:$0x11] =	wrdreg s15  }
0xb: {  	s17 =	simm.s32 $0x700;
	[dreg:$0x12] =	wrdreg s16  }
0xc: {  	s18 =	simm.s32 $0x780;
	[dreg:$0x13] =	wrdreg s17  }
0xd: {  	s19 =	simm.s32 $0x800;
	[dreg:$0x14] =	wrdreg s18  }
0xe: {  	s20 =	simm.s32 $0x880;
	[dreg:$0x15] =	wrdreg s19  }
0xf: {  	s21 =	simm.s32 $0x900;
	[dreg:$0x16] =	wrdreg s20  }
0x10: {  	s22 =	simm.s32 $0x980;
	[dreg:$0x17] =	wrdreg s21  }
0x11: {  	s23 =	simm.s32 $0xA00;
	[dreg:$0x18] =	wrdreg s22  }
0x12: {  	s24 =	simm.s32 $0xA80;
	[dreg:$0x19] =	wrdreg s23  }
0x13: {  	s25 =	simm.s32 $0xB00;
	[dreg:$0x1a] =	wrdreg s24  }
0x14: {  	[dreg:$0x1b] =	wrdreg s25;
	s10 =	simm.s32 $0xE80  }
0x15: {  	s11 =	simm.s32 $0xF00;
	[smem:$0x7AC] =	sst s10  }
0x16: {  	s12 =	simm.s32 $0xF80;
	[smem:$0x7AD] =	sst s11  }
0x17: {  	s13 =	simm.s32 $0x1000;
	[smem:$0x7AE] =	sst s12  }
0x18: {  	s14 =	simm.s32 $0x1080;
	[smem:$0x7AF] =	sst s13  }
0x19: {  	s15 =	simm.s32 $0x1100;
	[smem:$0x7B0] =	sst s14  }
0x1a: {  	s16 =	simm.s32 $0x1180;
	[smem:$0x7B1] =	sst s15  }
0x1b: {  	s17 =	simm.s32 $0x1200;
	[smem:$0x7B2] =	sst s16  }
0x1c: {  	s18 =	simm.s32 $0x1280;
	[smem:$0x7B3] =	sst s17  }
0x1d: {  	s19 =	simm.s32 $0x1300;
	[smem:$0x7B4] =	sst s18  }
0x1e: {  	s20 =	simm.s32 $0x1380;
	[smem:$0x7B5] =	sst s19  }
0x1f: {  	s21 =	simm.s32 $0x1400;
	[smem:$0x7B6] =	sst s20  }
0x20: {  	s0 =	stileid.u32;
	s22 =	simm.s32 $0x1480;
	[smem:$0x7B7] =	sst s21  }
0x21: {  	s3 =	sshll.u32 s0, $0x1;
	s23 =	simm.s32 $0x1500;
	[smem:$0x7B8] =	sst s22  }
0x22: {  	s3 =	sor.u32 s4, s3;
	s24 =	simm.s32 $0x1580;
	[smem:$0x7B9] =	sst s23  }
0x23: {  	s7 =	sshll.u32 s3, $0x4;
	s25 =	simm.s32 $0x1600;
	[smem:$0x7BA] =	sst s24  }
0x24: {  	s9 =	sadd.s32 s6, s7;
	[smem:$0x7BB] =	sst s25  }
0x25: {  	s5 =	sadd.s32 s5, s7;
	[dreg:$0x4] =	wrdreg s9  }
0x26: {  	s8 =	sshll.u32 s3, $0x1;
	s7 =	simm.s32 $0x200;
	[dreg:$0x5] =	wrdreg s5  }
0x27: {  	s6 =	sadd.s32 s8, s6;
	s8 =	simm.s32 $0x280;
	[dreg:$0x9] =	wrdreg s7  }
0x28: {  	s10 =	simm.s32 $0x1980;
	[dreg:$0xa] =	wrdreg s8  }
0x29: {  	s11 =	simm.s32 $0x1A00;
	[smem:$0x7C2] =	sst s10  }
0x2a: {  	s12 =	simm.s32 $0x1A80;
	[smem:$0x7C3] =	sst s11  }
0x2b: {  	s13 =	simm.s32 $0x1B00;
	[smem:$0x7C4] =	sst s12  }
0x2c: {  	s14 =	simm.s32 $0x1B80;
	[smem:$0x7C5] =	sst s13  }
0x2d: {  	s15 =	simm.s32 $0x1C00;
	[smem:$0x7C6] =	sst s14  }
0x2e: {  	s16 =	simm.s32 $0x1C80;
	[smem:$0x7C7] =	sst s15  }
0x2f: {  	s17 =	simm.s32 $0x1D00;
	[smem:$0x7C8] =	sst s16  }
0x30: {  	s18 =	simm.s32 $0x1D80;
	[smem:$0x7C9] =	sst s17  }
0x31: {  	s19 =	simm.s32 $0x1E00;
	[smem:$0x7CA] =	sst s18  }
0x32: {  	s20 =	simm.s32 $0x1E80;
	[smem:$0x7CB] =	sst s19  }
0x33: {  	s21 =	simm.s32 $0x1F00;
	[smem:$0x7CC] =	sst s20  }
0x34: {  	s22 =	simm.s32 $0x1F80;
	[smem:$0x7CD] =	sst s21  }
0x35: {  	s23 =	simm.s32 $0x2000;
	[smem:$0x7CE] =	sst s22  }
0x36: {  	s24 =	simm.s32 $0x2080;
	[smem:$0x7CF] =	sst s23  }
0x37: {  	s25 =	simm.s32 $0x2100;
	[smem:$0x7D0] =	sst s24  }
0x38: {  	s26 =	sadd.s32 $0x200, s6;
	[smem:$0x7D1] =	sst s25  }
0x39: {  	s0 =	sadd.s32 $0x240, s6;
	[dreg:$0x6] =	wrdreg s26  }
0x3a: {  	s6 =	simm.s32 $0x80;
	[dreg:$0x7] =	wrdreg s0  }
0x3b: {  	s9 =	simm.s32 $0x300;
	[dreg:$0x8] =	wrdreg s6  }
0x3c: {  	s7 =	simm.s32 $0xD00;
	[dreg:$0xb] =	wrdreg s9  }
0x3d: {  	s8 =	simm.s32 $0xD80;
	[dreg:$0x1f] =	wrdreg s7  }
0x3e: {  	s10 =	simm.s32 $0x2480;
	[smem:$0x7AA] =	sst s8  }
0x3f: {  	s11 =	simm.s32 $0x2500;
	[smem:$0x7D8] =	sst s10  }
0x40: {  	s12 =	simm.s32 $0x2580;
	[smem:$0x7D9] =	sst s11  }
0x41: {  	s13 =	simm.s32 $0x2600;
	[smem:$0x7DA] =	sst s12  }
0x42: {  	s14 =	simm.s32 $0x2680;
	[smem:$0x7DB] =	sst s13  }
0x43: {  	s15 =	simm.s32 $0x2700;
	[smem:$0x7DC] =	sst s14  }
0x44: {  	s16 =	simm.s32 $0x2780;
	[smem:$0x7DD] =	sst s15  }
0x45: {  	s17 =	simm.s32 $0x2800;
	[smem:$0x7DE] =	sst s16  }
0x46: {  	s18 =	simm.s32 $0x2880;
	[smem:$0x7DF] =	sst s17  }
0x47: {  	s19 =	simm.s32 $0x2900;
	[smem:$0x7E0] =	sst s18  }
0x48: {  	s20 =	simm.s32 $0x2980;
	[smem:$0x7E1] =	sst s19  }
0x49: {  	s21 =	simm.s32 $0x2A00;
	[smem:$0x7E2] =	sst s20  }
0x4a: {  	s22 =	simm.s32 $0x2A80;
	[smem:$0x7E3] =	sst s21  }
0x4b: {  	s23 =	simm.s32 $0x2B00;
	[smem:$0x7E4] =	sst s22  }
0x4c: {  	s24 =	simm.s32 $0x2B80;
	[smem:$0x7E5] =	sst s23  }
0x4d: {  	s25 =	simm.s32 $0x2C00;
	[smem:$0x7E6] =	sst s24  }
0x4e: {  	s26 =	simm.s32 $0xB80;
	[smem:$0x7E7] =	sst s25  }
0x4f: {  	s0 =	simm.s32 $0xC00;
	[dreg:$0x1c] =	wrdreg s26  }
0x50: {  	s6 =	simm.s32 $0xC80;
	[dreg:$0x1d] =	wrdreg s0  }
0x51: {  	s9 =	simm.s32 $0xE00;
	[dreg:$0x1e] =	wrdreg s6  }
0x52: {  	s7 =	simm.s32 $0x1800;
	[smem:$0x7AB] =	sst s9  }
0x53: {  	s8 =	simm.s32 $0x1880;
	[smem:$0x7BF] =	sst s7  }
0x54: {  	s10 =	simm.s32 $0x2F80;
	[smem:$0x7C0] =	sst s8  }
0x55: {  	s11 =	simm.s32 $0x3000;
	[smem:$0x7EE] =	sst s10  }
0x56: {  	s12 =	simm.s32 $0x3080;
	[smem:$0x7EF] =	sst s11  }
0x57: {  	s28 =	simm.s32 $0x2;
	s13 =	simm.s32 $0x3100;
	[smem:$0x7F0] =	sst s12  }
0x58: {  	s29 =	simm.s32 $0x3;
	s14 =	simm.s32 $0x3180;
	[smem:$0x7F1] =	sst s13  }
0x59: {  	s30 =	simm.s32 $0x4180;
	s15 =	simm.s32 $0x3200;
	[smem:$0x7F2] =	sst s14  }
0x5a: {  	s31 =	simm.s32 $0x4;
	s16 =	simm.s32 $0x3280;
	[smem:$0x7F3] =	sst s15  }
0x5b: {  	s4 =	ssub.s32 $0x2, s4;
	s17 =	simm.s32 $0x3300;
	[smem:$0x7F4] =	sst s16  }
0x5c: {  	s3 =	sshll.u32 s3, $0x7;
	s18 =	simm.s32 $0x3380;
	[smem:$0x7F5] =	sst s17  }
0x5d: {  	s3 =	sadd.s32 s1, s3;
	s19 =	simm.s32 $0x3400;
	[smem:$0x7F6] =	sst s18  }
0x5e: {  	s1 =	simm.s32 $0x4190;
	s21 =	simm.s32 $0x3480;
	[smem:$0x7F7] =	sst s19  }
0x5f: {  	s5 =	simm.s32 $0x1;
	s22 =	simm.s32 $0x3500;
	[smem:$0x7F8] =	sst s21  }
0x60: {  	s20 =	sshrl.u32 s4, $0x1;
	s23 =	simm.s32 $0x3580;
	[smem:$0x7F9] =	sst s22  }
0x61: {  	s24 =	simm.s32 $0x3600;
	s25 =	simm.s32 $0x3680;
	[smem:$0x7FA] =	sst s23  }
0x62: {  	s26 =	simm.s32 $0x1680;
	s0 =	simm.s32 $0x1700;
	[smem:$0x7FB] =	sst s24  }
0x63: {  	s6 =	simm.s32 $0x1780;
	s9 =	simm.s32 $0x1900;
	[smem:$0x7FC] =	sst s25  }
0x64: {  	s7 =	simm.s32 $0x2300;
	s8 =	simm.s32 $0x2380;
	[smem:$0x7BC] =	sst s26  }
0x65: {  	s4 =	ssub.s32 s4, s20;
	s10 =	simm.s32 $0x3900;
	[smem:$0x7BD] =	sst s0  }
0x66: {  	v0 =	vimm.s32 $0xEDCBA987;
	s11 =	simm.s32 $0x3980;
	s12 =	simm.s32 $0x3A00;
	[smem:$0x7BE] =	sst s6  }
0x67: {  	v1 =	vimm.s32 $0x65432100;
	v20 =	vlaneseq.u32;
	s13 =	simm.s32 $0x3A80;
	s14 =	simm.s32 $0x3B00;
	[smem:$0x7C1] =	sst s9  }
0x68: {  	vm0 =	vmmov $0x1;
	v9 =	vimm.s32 $0x7;
	v10 =	vimm.s32 $0x5;
	s15 =	simm.s32 $0x3B80;
	s16 =	simm.s32 $0x3C00;
	[smem:$0x7D5] =	sst s7  }
0x69: {  	v12 =	vimm.s32 $0x1;
	v13 =	vimm.s32 $0x2;
	v14 =	vimm.s32 $0x3;
	s17 =	simm.s32 $0x3C80;
	s26 =	simm.s32 $0x2180;
	[smem:$0x7D6] =	sst s8  }
0x6a: {  	v15 =	vimm.s32 $0x4;
	v16 =	vimm.s32 $0x6;
	v17 =	vimm.s32 $0x8;
	s18 =	simm.s32 $0x3D00;
	s0 =	simm.s32 $0x2200;
	[smem:$0x7D2] =	sst s26  }
0x6b: {  	v18 =	vimm.s32 $0x9;
	v19 =	vimm.s32 $0xA;
	v21 =	vimm.s32 $0xB;
	s19 =	simm.s32 $0x3D80;
	s6 =	simm.s32 $0x2280;
	[smem:$0x7D3] =	sst s0  }
0x6c: {  	v22 =	vimm.s32 $0xC;
	v0 =	vunpack.c.l.s4.s8 v0;
	v1 =	vunpack.c.l.s4.s8 v1;
	s20 =	simm.s32 $0x3E00;
	s9 =	simm.s32 $0x2400;
	[smem:$0x7D4] =	sst s6  }
0x6d: {  	v2 =	vadd.s32 $0xF, v20;
	v3 =	vadd.s32 $0x1F, v20;
	v4 =	vadd.s32 $0x2F, v20;
	s21 =	simm.s32 $0x3E80;
	s7 =	simm.s32 $0x2E00;
	[smem:$0x7D7] =	sst s9  }
0x6e: {  	v5 =	vadd.s32 $0x3F, v20;
	v6 =	vadd.s32 $0x4F, v20;
	v7 =	vadd.s32 $0x5F, v20;
	s22 =	simm.s32 $0x3F00;
	s8 =	simm.s32 $0x2E80;
	[smem:$0x7EB] =	sst s7  }
0x6f: {  	v8 =	vadd.s32 $0x6F, v20;
	v11 =	vmul.u32 $0x8, v20;
	v20 =	vmul.u32 $0x81, v20;
	s23 =	simm.s32 $0x3F80;
	s26 =	simm.s32 $0x2C80;
	[smem:$0x7EC] =	sst s8  }
0x70: {  	v23 =	vimm.s32 $0xD;
	v24 =	vimm.s32 $0xE;
	v25 =	vimm.s32 $0xF;
	s24 =	simm.s32 $0x4000;
	s0 =	simm.s32 $0x2D00;
	[smem:$0x7E8] =	sst s26  }
0x71: {  	v0 =	vunpack.c.0.s8.s32 v0;
	v1 =	vunpack.c.0.s8.s32 v1;
	v26 =	vadd.s32 $0x810, v20;
	s25 =	simm.s32 $0x4080;
	s6 =	simm.s32 $0x2D80;
	[smem:$0x7E9] =	sst s0  }
0x72: {  	v27 =	vadd.s32 $0x1020, v20;
	v28 =	vadd.s32 $0x1830, v20;
	v29 =	vadd.s32 $0x2040, v20;
	s4 =	smax.u32 s4, $0x1;
	s9 =	simm.s32 $0x2F00;
	[smem:$0x7EA] =	sst s6  }
0x73: {  	v30 =	vadd.s32 $0x2850, v20;
	v31 =	vadd.s32 $0x3060, v20;
	v0 =	vand.u32 $0xF, v0;
	[smem:$0x7ED] =	sst s9;
	s26 =	simm.s32 $0x3700;
	s6 =	simm.s32 $0x180  }
0x74: {  	v32 =	vadd.s32 $0x3870, v20;
	v0 =	vcombine.low v1, v0;
	v1 =	vimm.s32 $0x0;
	s9 =	simm.s32 $0x3880;
	[smem:$0x7FD] =	sst s26;
	s26 =	simm.s32 $0x4100  }
.LBB2_1:
0x75: {  	s0 =	rddreg [dreg:$0x4]  }
0x76: {  	s7 =	rddreg [dreg:$0x5]  }
0x77: {  	[tilespmem:s2], [sflag:$0x1] =	stream.linear.gather [hbm4b:s0+s2], $0x80, $0x38;
	[tilespmem:$0x4200] =	vst v63  }
0x78: {  	s8 =	rddreg [dreg:$0x8]  }
0x79: {  	[tilespmem:s8], [sflag:$0x2] =	stream.linear.gather [hbm4b:s7+s2], $0x80, $0x38;
	[tilespmem:$0x4200] =	vst v63  }
0x7a: {  	_ =	swait.ge [sflag:s5], $0x80  }
0x7b: {  	[sflag:s5] =	ssyncset.done $0x0  }
0x7c: {  	[sflag:s5] =	ssyncadd.s32 $0xFFFFFF80  }
0x7d: {  	v47 =	vld [tilespmem:$0x0];
	_ =	sdelay $0x1  }
0x7e: {  	v45 =	vld [tilespmem:$0x10]  }
0x7f: {  	v42 =	vld [tilespmem:$0x20]  }
0x80: {  	v48 =	vld.idx.msk [tilespmem:v0+s2+$0x0], $0xffff  }
0x81: {  	v40 =	vld [tilespmem:$0x30];
	vm8 =	vgt.s32 v47, $0x2710  }
0x82: {  	v37 =	vld [tilespmem:$0x40];
	v34 =	vsel vm8, $0x0, v47  }
0x83: {  	v35 =	vld [tilespmem:$0x50];
	vm7 =	vgt.s32 v45, $0x2710;
	[tilespmem:$0x100] =	vst v34  }
0x84: {  	v33 =	vsel vm7, $0x0, v45;
	v36 =	vshll.u32 v34, $0x5;
	v46 =	vld.idx.msk [tilespmem:v2+s2+$0x0], $0xffff  }
0x85: {  	v38 =	vand.u32 $0x7, v34;
	[tilespmem:$0x110] =	vst v33;
	v33 =	vld [tilespmem:$0x60];
	v36 =	vand.u32 $0xFFFFFF00, v36  }
0x86: {  	vm6 =	vgt.s32 v42, $0x2710;
	v34 =	vld [tilespmem:$0x70];
	v49 =	vor.u32 v38, v36  }
0x87: {  	vm5 =	vgt.s32 v40, $0x2710;
	v56 =	vsel vm6, $0x0, v42;
	v36 =	vperm.xlane v49, v1  }
0x88: {  	vm4 =	vgt.s32 v37, $0x2710;
	vm3 =	vgt.s32 v35, $0x2710;
	v57 =	vsel vm5, $0x0, v40;
	v44 =	vld.idx.msk [tilespmem:v3+s2+$0x0], $0xffff;
	[tilespmem:$0x120] =	vst v56  }
0x89: {  	v39 =	vsel vm4, $0x0, v37;
	v43 =	vld.idx.msk [tilespmem:v4+s2+$0x0], $0xffff;
	[tilespmem:$0x130] =	vst v57;
	v59 =	vperm.xlane v49, v12;
	v50 =	vadd.s32 v11, v36  }
0x8a: {  	v58 =	vsel vm3, $0x0, v35;
	v52 =	vperm.xlane v49, v13;
	v41 =	vld.idx.msk [tilespmem:v5+s2+$0x0], $0xffff;
	[tilespmem:$0x140] =	vst v39;
	vm2 =	vgt.s32 v33, $0x2710  }
0x8b: {  	v39 =	vld.idx.msk [tilespmem:v6+s2+$0x0], $0xffff;
	[tilespmem:$0x150] =	vst v58;
	vm1 =	vgt.s32 v34, $0x2710;
	v60 =	vadd.s32 v11, v59;
	v51 =	vsel vm2, $0x0, v33  }
0x8c: {  	v38 =	vld.idx.msk [tilespmem:v7+s2+$0x0], $0xffff;
	v53 =	vsel vm1, $0x0, v34;
	[tilespmem:$0x160] =	vst v51  }
0x8d: {  	v61 =	vperm.xlane v49, v14;
	v52 =	vadd.s32 v11, v52;
	v36 =	vld.idx.msk [tilespmem:v8+s2+$0x0], $0xffff;
	[tilespmem:$0x170] =	vst v53  }
0x8e: {  	[tilespmem:s6], [sflag:$0x3] =	stream.indirect_vreg.gather [hbm4b:s3+s2], $0x80, v50, vm0, $0xb8;
	[tilespmem:$0x4200] =	vst v63  }
0x8f: {  	s8 =	rddreg [dreg:$0x9];
	v63 =	vperm.xlane v49, v15;
	v62 =	vadd.s32 v11, v61  }
0x90: {  	[tilespmem:s8], [sflag:$0x3] =	stream.indirect_vreg.gather [hbm4b:s3+s2], $0x80, v60, vm0, $0xb8;
	[tilespmem:$0x4200] =	vst v63  }
0x91: {  	s7 =	rddreg [dreg:$0xa];
	v57 =	vperm.xlane v49, v10;
	v56 =	vadd.s32 v11, v63  }
0x92: {  	[tilespmem:s7], [sflag:$0x3] =	stream.indirect_vreg.gather [hbm4b:s3+s2], $0x80, v52, vm0, $0xb8;
	[tilespmem:$0x4200] =	vst v63  }
0x93: {  	v58 =	vadd.s32 v11, v57;
	v59 =	vperm.xlane v49, v16;
	s8 =	rddreg [dreg:$0xb]  }
0x94: {  	[tilespmem:s8], [sflag:$0x3] =	stream.indirect_vreg.gather [hbm4b:s3+s2], $0x80, v62, vm0, $0xb8;
	[tilespmem:$0x4200] =	vst v63  }
0x95: {  	v61 =	vperm.xlane v49, v9;
	v60 =	vadd.s32 v11, v59;
	s7 =	rddreg [dreg:$0xc]  }
0x96: {  	[tilespmem:s7], [sflag:$0x3] =	stream.indirect_vreg.gather [hbm4b:s3+s2], $0x80, v56, vm0, $0xb8;
	[tilespmem:$0x4200] =	vst v63  }
0x97: {  	v63 =	vperm.xlane v49, v17;
	s8 =	rddreg [dreg:$0xd];
	v62 =	vadd.s32 v11, v61  }
0x98: {  	[tilespmem:s8], [sflag:$0x3] =	stream.indirect_vreg.gather [hbm4b:s3+s2], $0x80, v58, vm0, $0xb8;
	[tilespmem:$0x4200] =	vst v63  }
0x99: {  	v57 =	vperm.xlane v49, v18;
	s7 =	rddreg [dreg:$0xe];
	v56 =	vadd.s32 v11, v63  }
0x9a: {  	[tilespmem:s7], [sflag:$0x3] =	stream.indirect_vreg.gather [hbm4b:s3+s2], $0x80, v60, vm0, $0xb8;
	[tilespmem:$0x4200] =	vst v63  }
0x9b: {  	v59 =	vperm.xlane v49, v19;
	s8 =	rddreg [dreg:$0xf];
	v58 =	vadd.s32 v11, v57  }
0x9c: {  	[tilespmem:s8], [sflag:$0x3] =	stream.indirect_vreg.gather [hbm4b:s3+s2], $0x80, v62, vm0, $0xb8;
	[tilespmem:$0x4200] =	vst v63  }
0x9d: {  	v61 =	vperm.xlane v49, v21;
	s7 =	rddreg [dreg:$0x10];
	v60 =	vadd.s32 v11, v59  }
0x9e: {  	[tilespmem:s7], [sflag:$0x3] =	stream.indirect_vreg.gather [hbm4b:s3+s2], $0x80, v56, vm0, $0xb8;
	[tilespmem:$0x4200] =	vst v63  }
0x9f: {  	v63 =	vperm.xlane v49, v22;
	s8 =	rddreg [dreg:$0x11];
	v62 =	vadd.s32 v11, v61  }
0xa0: {  	[tilespmem:s8], [sflag:$0x3] =	stream.indirect_vreg.gather [hbm4b:s3+s2], $0x80, v58, vm0, $0xb8;
	[tilespmem:$0x4200] =	vst v63  }
0xa1: {  	v57 =	vperm.xlane v49, v23;
	s7 =	rddreg [dreg:$0x12];
	v56 =	vadd.s32 v11, v63  }
0xa2: {  	[tilespmem:s7], [sflag:$0x3] =	stream.indirect_vreg.gather [hbm4b:s3+s2], $0x80, v60, vm0, $0xb8;
	[tilespmem:$0x4200] =	vst v63  }
0xa3: {  	v59 =	vperm.xlane v49, v24;
	s8 =	rddreg [dreg:$0x13];
	v58 =	vadd.s32 v11, v57  }
0xa4: {  	[tilespmem:s8], [sflag:$0x3] =	stream.indirect_vreg.gather [hbm4b:s3+s2], $0x80, v62, vm0, $0xb8;
	[tilespmem:$0x4200] =	vst v63  }
0xa5: {  	v49 =	vperm.xlane v49, v25;
	s7 =	rddreg [dreg:$0x14];
	v60 =	vadd.s32 v11, v59  }
0xa6: {  	[tilespmem:s7], [sflag:$0x3] =	stream.indirect_vreg.gather [hbm4b:s3+s2], $0x80, v56, vm0, $0xb8;
	[tilespmem:$0x4200] =	vst v63  }
0xa7: {  	v49 =	vadd.s32 v11, v49;
	s8 =	rddreg [dreg:$0x15]  }
0xa8: {  	[tilespmem:s8], [sflag:$0x3] =	stream.indirect_vreg.gather [hbm4b:s3+s2], $0x80, v58, vm0, $0xb8;
	[tilespmem:$0x4200] =	vst v63  }
0xa9: {  	s7 =	rddreg [dreg:$0x16]  }
0xaa: {  	[tilespmem:s7], [sflag:$0x3] =	stream.indirect_vreg.gather [hbm4b:s3+s2], $0x80, v60, vm0, $0xb8;
	[tilespmem:$0x4200] =	vst v63  }
0xab: {  	s8 =	rddreg [dreg:$0x17]  }
0xac: {  	[tilespmem:s8], [sflag:$0x3] =	stream.indirect_vreg.gather [hbm4b:s3+s2], $0x80, v49, vm0, $0xb8;
	[tilespmem:$0x4200] =	vst v63  }
0xad: {  	v49 =	vld [tilespmem:$0x110];
	_ =	sdelay $0x4  }
0xae: {  	v61 =	vshll.u32 v49, $0x5  }
0xaf: {  	v49 =	vand.u32 $0x7, v49;
	v50 =	vand.u32 $0xFFFFFF00, v61  }
0xb0: {  	v49 =	vor.u32 v49, v50  }
0xb1: {  	v50 =	vperm.xlane v49, v1;
	_ =	sdelay $0x1  }
0xb2: {  	v62 =	vperm.xlane v49, v12;
	v50 =	vadd.s32 v11, v50;
	_ =	sdelay $0x1  }
0xb3: {  	v63 =	vperm.xlane v49, v13;
	v51 =	vadd.s32 v11, v62  }
0xb4: {  	s0 =	rddreg [dreg:$0x1a]  }
0xb5: {  	s7 =	rddreg [dreg:$0x18];
	v56 =	vperm.xlane v49, v14;
	v52 =	vadd.s32 v11, v63  }
0xb6: {  	[tilespmem:s7], [sflag:$0x3] =	stream.indirect_vreg.gather [hbm4b:s3+s2], $0x80, v50, vm0, $0xb8;
	[tilespmem:$0x4200] =	vst v63  }
0xb7: {  	s8 =	rddreg [dreg:$0x19];
	v58 =	vperm.xlane v49, v15;
	v57 =	vadd.s32 v11, v56  }
0xb8: {  	[tilespmem:s8], [sflag:$0x3] =	stream.indirect_vreg.gather [hbm4b:s3+s2], $0x80, v51, vm0, $0xb8;
	[tilespmem:$0x4200] =	vst v63  }
0xb9: {  	v60 =	vperm.xlane v49, v10;
	v59 =	vadd.s32 v11, v58;
	s8 =	rddreg [dreg:$0x1b]  }
0xba: {  	[tilespmem:s0], [sflag:$0x3] =	stream.indirect_vreg.gather [hbm4b:s3+s2], $0x80, v52, vm0, $0xb8;
	[tilespmem:$0x4200] =	vst v63  }
0xbb: {  	v61 =	vadd.s32 v11, v60;
	v62 =	vperm.xlane v49, v16;
	s0 =	rddreg [dreg:$0x1c]  }
0xbc: {  	[tilespmem:s8], [sflag:$0x3] =	stream.indirect_vreg.gather [hbm4b:s3+s2], $0x80, v57, vm0, $0xb8;
	[tilespmem:$0x4200] =	vst v63  }
0xbd: {  	v56 =	vperm.xlane v49, v9;
	v63 =	vadd.s32 v11, v62;
	s8 =	rddreg [dreg:$0x1d]  }
0xbe: {  	[tilespmem:s0], [sflag:$0x3] =	stream.indirect_vreg.gather [hbm4b:s3+s2], $0x80, v59, vm0, $0xb8;
	[tilespmem:$0x4200] =	vst v63  }
0xbf: {  	v58 =	vperm.xlane v49, v17;
	v57 =	vadd.s32 v11, v56;
	s0 =	rddreg [dreg:$0x1e]  }
0xc0: {  	[tilespmem:s8], [sflag:$0x3] =	stream.indirect_vreg.gather [hbm4b:s3+s2], $0x80, v61, vm0, $0xb8;
	[tilespmem:$0x4200] =	vst v63  }
0xc1: {  	v60 =	vperm.xlane v49, v18;
	v59 =	vadd.s32 v11, v58;
	s8 =	rddreg [dreg:$0x1f]  }
0xc2: {  	[tilespmem:s0], [sflag:$0x3] =	stream.indirect_vreg.gather [hbm4b:s3+s2], $0x80, v63, vm0, $0xb8;
	[tilespmem:$0x4200] =	vst v63  }
0xc3: {  	v62 =	vperm.xlane v49, v19;
	v61 =	vadd.s32 v11, v60;
	s0 =	sld [smem:$0x7AA]  }
0xc4: {  	[tilespmem:s8], [sflag:$0x3] =	stream.indirect_vreg.gather [hbm4b:s3+s2], $0x80, v57, vm0, $0xb8;
	[tilespmem:$0x4200] =	vst v63  }
0xc5: {  	v56 =	vperm.xlane v49, v21;
	v63 =	vadd.s32 v11, v62;
	s8 =	sld [smem:$0x7AB]  }
0xc6: {  	[tilespmem:s0], [sflag:$0x3] =	stream.indirect_vreg.gather [hbm4b:s3+s2], $0x80, v59, vm0, $0xb8;
	[tilespmem:$0x4200] =	vst v63  }
0xc7: {  	v58 =	vperm.xlane v49, v22;
	v57 =	vadd.s32 v11, v56;
	s0 =	sld [smem:$0x7AC]  }
0xc8: {  	[tilespmem:s8], [sflag:$0x3] =	stream.indirect_vreg.gather [hbm4b:s3+s2], $0x80, v61, vm0, $0xb8;
	[tilespmem:$0x4200] =	vst v63  }
0xc9: {  	v60 =	vperm.xlane v49, v23;
	v59 =	vadd.s32 v11, v58;
	s8 =	sld [smem:$0x7AD]  }
0xca: {  	[tilespmem:s0], [sflag:$0x3] =	stream.indirect_vreg.gather [hbm4b:s3+s2], $0x80, v63, vm0, $0xb8;
	[tilespmem:$0x4200] =	vst v63  }
0xcb: {  	v62 =	vperm.xlane v49, v24;
	v61 =	vadd.s32 v11, v60;
	s0 =	sld [smem:$0x7AE]  }
0xcc: {  	[tilespmem:s8], [sflag:$0x3] =	stream.indirect_vreg.gather [hbm4b:s3+s2], $0x80, v57, vm0, $0xb8;
	[tilespmem:$0x4200] =	vst v63  }
0xcd: {  	v49 =	vperm.xlane v49, v25;
	v63 =	vadd.s32 v11, v62;
	s8 =	sld [smem:$0x7AF]  }
0xce: {  	[tilespmem:s0], [sflag:$0x3] =	stream.indirect_vreg.gather [hbm4b:s3+s2], $0x80, v59, vm0, $0xb8;
	[tilespmem:$0x4200] =	vst v63  }
0xcf: {  	v49 =	vadd.s32 v11, v49;
	s0 =	sld [smem:$0x7B0]  }
0xd0: {  	[tilespmem:s8], [sflag:$0x3] =	stream.indirect_vreg.gather [hbm4b:s3+s2], $0x80, v61, vm0, $0xb8;
	[tilespmem:$0x4200] =	vst v63  }
0xd1: {  	s8 =	sld [smem:$0x7B1]  }
0xd2: {  	[tilespmem:s0], [sflag:$0x3] =	stream.indirect_vreg.gather [hbm4b:s3+s2], $0x80, v63, vm0, $0xb8;
	[tilespmem:$0x4200] =	vst v63  }
0xd3: {  	_ = 	snop  }
0xd4: {  	[tilespmem:s8], [sflag:$0x3] =	stream.indirect_vreg.gather [hbm4b:s3+s2], $0x80, v49, vm0, $0xb8;
	[tilespmem:$0x4200] =	vst v63  }
0xd5: {  	v49 =	vld [tilespmem:$0x120];
	_ =	sdelay $0x4  }
0xd6: {  	v55 =	vshll.u32 v49, $0x5  }
0xd7: {  	v49 =	vand.u32 $0x7, v49;
	v50 =	vand.u32 $0xFFFFFF00, v55  }
0xd8: {  	v49 =	vor.u32 v49, v50  }
0xd9: {  	v50 =	vperm.xlane v49, v1;
	_ =	sdelay $0x1  }
0xda: {  	v56 =	vperm.xlane v49, v12;
	v50 =	vadd.s32 v11, v50;
	_ =	sdelay $0x1  }
0xdb: {  	s7 =	sld [smem:$0x7B2];
	v57 =	vperm.xlane v49, v13;
	v51 =	vadd.s32 v11, v56;
	_ =	sdelay $0x1  }
0xdc: {  	s8 =	sld [smem:$0x7B3];
	v58 =	vperm.xlane v49, v14;
	v52 =	vadd.s32 v11, v57  }
0xdd: {  	[tilespmem:s7], [sflag:$0x3] =	stream.indirect_vreg.gather [hbm4b:s3+s2], $0x80, v50, vm0, $0xb8;
	[tilespmem:$0x4200] =	vst v63  }
0xde: {  	s0 =	sld [smem:$0x7B4];
	v60 =	vperm.xlane v49, v15;
	v59 =	vadd.s32 v11, v58  }
0xdf: {  	[tilespmem:s8], [sflag:$0x3] =	stream.indirect_vreg.gather [hbm4b:s3+s2], $0x80, v51, vm0, $0xb8;
	[tilespmem:$0x4200] =	vst v63  }
0xe0: {  	v62 =	vperm.xlane v49, v10;
	v61 =	vadd.s32 v11, v60;
	s8 =	sld [smem:$0x7B5]  }
0xe1: {  	[tilespmem:s0], [sflag:$0x3] =	stream.indirect_vreg.gather [hbm4b:s3+s2], $0x80, v52, vm0, $0xb8;
	[tilespmem:$0x4200] =	vst v63  }
0xe2: {  	v63 =	vadd.s32 v11, v62;
	v56 =	vperm.xlane v49, v16;
	s0 =	sld [smem:$0x7B6]  }
0xe3: {  	[tilespmem:s8], [sflag:$0x3] =	stream.indirect_vreg.gather [hbm4b:s3+s2], $0x80, v59, vm0, $0xb8;
	[tilespmem:$0x4200] =	vst v63  }
0xe4: {  	v58 =	vperm.xlane v49, v9;
	v57 =	vadd.s32 v11, v56;
	s8 =	sld [smem:$0x7B7]  }
0xe5: {  	[tilespmem:s0], [sflag:$0x3] =	stream.indirect_vreg.gather [hbm4b:s3+s2], $0x80, v61, vm0, $0xb8;
	[tilespmem:$0x4200] =	vst v63  }
0xe6: {  	v60 =	vperm.xlane v49, v17;
	v59 =	vadd.s32 v11, v58;
	s0 =	sld [smem:$0x7B8]  }
0xe7: {  	[tilespmem:s8], [sflag:$0x3] =	stream.indirect_vreg.gather [hbm4b:s3+s2], $0x80, v63, vm0, $0xb8;
	[tilespmem:$0x4200] =	vst v63  }
0xe8: {  	v62 =	vperm.xlane v49, v18;
	v61 =	vadd.s32 v11, v60;
	s8 =	sld [smem:$0x7B9]  }
0xe9: {  	[tilespmem:s0], [sflag:$0x3] =	stream.indirect_vreg.gather [hbm4b:s3+s2], $0x80, v57, vm0, $0xb8;
	[tilespmem:$0x4200] =	vst v63  }
0xea: {  	v56 =	vperm.xlane v49, v19;
	v63 =	vadd.s32 v11, v62;
	s0 =	sld [smem:$0x7BA]  }
0xeb: {  	[tilespmem:s8], [sflag:$0x3] =	stream.indirect_vreg.gather [hbm4b:s3+s2], $0x80, v59, vm0, $0xb8;
	[tilespmem:$0x4200] =	vst v63  }
0xec: {  	v58 =	vperm.xlane v49, v21;
	v57 =	vadd.s32 v11, v56;
	s8 =	sld [smem:$0x7BB]  }
0xed: {  	[tilespmem:s0], [sflag:$0x3] =	stream.indirect_vreg.gather [hbm4b:s3+s2], $0x80, v61, vm0, $0xb8;
	[tilespmem:$0x4200] =	vst v63  }
0xee: {  	v60 =	vperm.xlane v49, v22;
	v59 =	vadd.s32 v11, v58;
	s0 =	sld [smem:$0x7BC]  }
0xef: {  	[tilespmem:s8], [sflag:$0x3] =	stream.indirect_vreg.gather [hbm4b:s3+s2], $0x80, v63, vm0, $0xb8;
	[tilespmem:$0x4200] =	vst v63  }
0xf0: {  	v62 =	vperm.xlane v49, v23;
	v61 =	vadd.s32 v11, v60;
	s8 =	sld [smem:$0x7BD]  }
0xf1: {  	[tilespmem:s0], [sflag:$0x3] =	stream.indirect_vreg.gather [hbm4b:s3+s2], $0x80, v57, vm0, $0xb8;
	[tilespmem:$0x4200] =	vst v63  }
0xf2: {  	v56 =	vperm.xlane v49, v24;
	v63 =	vadd.s32 v11, v62;
	s0 =	sld [smem:$0x7BE]  }
0xf3: {  	[tilespmem:s8], [sflag:$0x3] =	stream.indirect_vreg.gather [hbm4b:s3+s2], $0x80, v59, vm0, $0xb8;
	[tilespmem:$0x4200] =	vst v63  }
0xf4: {  	v49 =	vperm.xlane v49, v25;
	v57 =	vadd.s32 v11, v56;
	s8 =	sld [smem:$0x7BF]  }
0xf5: {  	[tilespmem:s0], [sflag:$0x3] =	stream.indirect_vreg.gather [hbm4b:s3+s2], $0x80, v61, vm0, $0xb8;
	[tilespmem:$0x4200] =	vst v63  }
0xf6: {  	v49 =	vadd.s32 v11, v49;
	s0 =	sld [smem:$0x7C0]  }
0xf7: {  	[tilespmem:s8], [sflag:$0x3] =	stream.indirect_vreg.gather [hbm4b:s3+s2], $0x80, v63, vm0, $0xb8;
	[tilespmem:$0x4200] =	vst v63  }
0xf8: {  	s8 =	sld [smem:$0x7C1]  }
0xf9: {  	[tilespmem:s0], [sflag:$0x3] =	stream.indirect_vreg.gather [hbm4b:s3+s2], $0x80, v57, vm0, $0xb8;
	[tilespmem:$0x4200] =	vst v63  }
0xfa: {  	_ = 	snop  }
0xfb: {  	[tilespmem:s8], [sflag:$0x3] =	stream.indirect_vreg.gather [hbm4b:s3+s2], $0x80, v49, vm0, $0xb8;
	[tilespmem:$0x4200] =	vst v63  }
0xfc: {  	v49 =	vld [tilespmem:$0x130];
	_ =	sdelay $0x4  }
0xfd: {  	v58 =	vshll.u32 v49, $0x5  }
0xfe: {  	v49 =	vand.u32 $0x7, v49;
	v50 =	vand.u32 $0xFFFFFF00, v58  }
0xff: {  	v49 =	vor.u32 v49, v50  }
0x100: {  	v50 =	vperm.xlane v49, v1;
	_ =	sdelay $0x1  }
0x101: {  	v59 =	vperm.xlane v49, v12;
	v50 =	vadd.s32 v11, v50;
	_ =	sdelay $0x1  }
0x102: {  	s7 =	sld [smem:$0x7C2];
	v60 =	vperm.xlane v49, v13;
	v51 =	vadd.s32 v11, v59;
	_ =	sdelay $0x1  }
0x103: {  	s8 =	sld [smem:$0x7C3];
	v61 =	vperm.xlane v49, v14;
	v52 =	vadd.s32 v11, v60  }
0x104: {  	[tilespmem:s7], [sflag:$0x3] =	stream.indirect_vreg.gather [hbm4b:s3+s2], $0x80, v50, vm0, $0xb8;
	[tilespmem:$0x4200] =	vst v63  }
0x105: {  	s0 =	sld [smem:$0x7C4];
	v63 =	vperm.xlane v49, v15;
	v62 =	vadd.s32 v11, v61  }
0x106: {  	[tilespmem:s8], [sflag:$0x3] =	stream.indirect_vreg.gather [hbm4b:s3+s2], $0x80, v51, vm0, $0xb8;
	[tilespmem:$0x4200] =	vst v63  }
0x107: {  	v57 =	vperm.xlane v49, v10;
	v56 =	vadd.s32 v11, v63;
	s8 =	sld [smem:$0x7C5]  }
0x108: {  	[tilespmem:s0], [sflag:$0x3] =	stream.indirect_vreg.gather [hbm4b:s3+s2], $0x80, v52, vm0, $0xb8;
	[tilespmem:$0x4200] =	vst v63  }
0x109: {  	v58 =	vadd.s32 v11, v57;
	v59 =	vperm.xlane v49, v16;
	s0 =	sld [smem:$0x7C6]  }
0x10a: {  	[tilespmem:s8], [sflag:$0x3] =	stream.indirect_vreg.gather [hbm4b:s3+s2], $0x80, v62, vm0, $0xb8;
	[tilespmem:$0x4200] =	vst v63  }
0x10b: {  	v61 =	vperm.xlane v49, v9;
	v60 =	vadd.s32 v11, v59;
	s8 =	sld [smem:$0x7C7]  }
0x10c: {  	[tilespmem:s0], [sflag:$0x3] =	stream.indirect_vreg.gather [hbm4b:s3+s2], $0x80, v56, vm0, $0xb8;
	[tilespmem:$0x4200] =	vst v63  }
0x10d: {  	v63 =	vperm.xlane v49, v17;
	v62 =	vadd.s32 v11, v61;
	s0 =	sld [smem:$0x7C8]  }
0x10e: {  	[tilespmem:s8], [sflag:$0x3] =	stream.indirect_vreg.gather [hbm4b:s3+s2], $0x80, v58, vm0, $0xb8;
	[tilespmem:$0x4200] =	vst v63  }
0x10f: {  	v57 =	vperm.xlane v49, v18;
	v56 =	vadd.s32 v11, v63;
	s8 =	sld [smem:$0x7C9]  }
0x110: {  	[tilespmem:s0], [sflag:$0x3] =	stream.indirect_vreg.gather [hbm4b:s3+s2], $0x80, v60, vm0, $0xb8;
	[tilespmem:$0x4200] =	vst v63  }
0x111: {  	v59 =	vperm.xlane v49, v19;
	v58 =	vadd.s32 v11, v57;
	s0 =	sld [smem:$0x7CA]  }
0x112: {  	[tilespmem:s8], [sflag:$0x3] =	stream.indirect_vreg.gather [hbm4b:s3+s2], $0x80, v62, vm0, $0xb8;
	[tilespmem:$0x4200] =	vst v63  }
0x113: {  	v61 =	vperm.xlane v49, v21;
	v60 =	vadd.s32 v11, v59;
	s8 =	sld [smem:$0x7CB]  }
0x114: {  	[tilespmem:s0], [sflag:$0x3] =	stream.indirect_vreg.gather [hbm4b:s3+s2], $0x80, v56, vm0, $0xb8;
	[tilespmem:$0x4200] =	vst v63  }
0x115: {  	v63 =	vperm.xlane v49, v22;
	v62 =	vadd.s32 v11, v61;
	s0 =	sld [smem:$0x7CC]  }
0x116: {  	[tilespmem:s8], [sflag:$0x3] =	stream.indirect_vreg.gather [hbm4b:s3+s2], $0x80, v58, vm0, $0xb8;
	[tilespmem:$0x4200] =	vst v63  }
0x117: {  	v57 =	vperm.xlane v49, v23;
	v56 =	vadd.s32 v11, v63;
	s8 =	sld [smem:$0x7CD]  }
0x118: {  	[tilespmem:s0], [sflag:$0x3] =	stream.indirect_vreg.gather [hbm4b:s3+s2], $0x80, v60, vm0, $0xb8;
	[tilespmem:$0x4200] =	vst v63  }
0x119: {  	v59 =	vperm.xlane v49, v24;
	v58 =	vadd.s32 v11, v57;
	s0 =	sld [smem:$0x7CE]  }
0x11a: {  	[tilespmem:s8], [sflag:$0x3] =	stream.indirect_vreg.gather [hbm4b:s3+s2], $0x80, v62, vm0, $0xb8;
	[tilespmem:$0x4200] =	vst v63  }
0x11b: {  	v49 =	vperm.xlane v49, v25;
	v60 =	vadd.s32 v11, v59;
	s8 =	sld [smem:$0x7CF]  }
0x11c: {  	[tilespmem:s0], [sflag:$0x3] =	stream.indirect_vreg.gather [hbm4b:s3+s2], $0x80, v56, vm0, $0xb8;
	[tilespmem:$0x4200] =	vst v63  }
0x11d: {  	v49 =	vadd.s32 v11, v49;
	s0 =	sld [smem:$0x7D0]  }
0x11e: {  	[tilespmem:s8], [sflag:$0x3] =	stream.indirect_vreg.gather [hbm4b:s3+s2], $0x80, v58, vm0, $0xb8;
	[tilespmem:$0x4200] =	vst v63  }
0x11f: {  	s8 =	sld [smem:$0x7D1]  }
0x120: {  	[tilespmem:s0], [sflag:$0x3] =	stream.indirect_vreg.gather [hbm4b:s3+s2], $0x80, v60, vm0, $0xb8;
	[tilespmem:$0x4200] =	vst v63  }
0x121: {  	_ = 	snop  }
0x122: {  	[tilespmem:s8], [sflag:$0x3] =	stream.indirect_vreg.gather [hbm4b:s3+s2], $0x80, v49, vm0, $0xb8;
	[tilespmem:$0x4200] =	vst v63  }
0x123: {  	v49 =	vld [tilespmem:$0x140];
	_ =	sdelay $0x4  }
0x124: {  	v61 =	vshll.u32 v49, $0x5  }
0x125: {  	v49 =	vand.u32 $0x7, v49;
	v50 =	vand.u32 $0xFFFFFF00, v61  }
0x126: {  	v49 =	vor.u32 v49, v50  }
0x127: {  	v50 =	vperm.xlane v49, v1;
	_ =	sdelay $0x1  }
0x128: {  	v62 =	vperm.xlane v49, v12;
	v50 =	vadd.s32 v11, v50;
	_ =	sdelay $0x1  }
0x129: {  	s7 =	sld [smem:$0x7D2];
	v63 =	vperm.xlane v49, v13;
	v51 =	vadd.s32 v11, v62;
	_ =	sdelay $0x1  }
0x12a: {  	s8 =	sld [smem:$0x7D3];
	v56 =	vperm.xlane v49, v14;
	v52 =	vadd.s32 v11, v63  }
0x12b: {  	[tilespmem:s7], [sflag:$0x3] =	stream.indirect_vreg.gather [hbm4b:s3+s2], $0x80, v50, vm0, $0xb8;
	[tilespmem:$0x4200] =	vst v63  }
0x12c: {  	s0 =	sld [smem:$0x7D4];
	v58 =	vperm.xlane v49, v15;
	v57 =	vadd.s32 v11, v56  }
0x12d: {  	[tilespmem:s8], [sflag:$0x3] =	stream.indirect_vreg.gather [hbm4b:s3+s2], $0x80, v51, vm0, $0xb8;
	[tilespmem:$0x4200] =	vst v63  }
0x12e: {  	v60 =	vperm.xlane v49, v10;
	v59 =	vadd.s32 v11, v58;
	s8 =	sld [smem:$0x7D5]  }
0x12f: {  	[tilespmem:s0], [sflag:$0x3] =	stream.indirect_vreg.gather [hbm4b:s3+s2], $0x80, v52, vm0, $0xb8;
	[tilespmem:$0x4200] =	vst v63  }
0x130: {  	v61 =	vadd.s32 v11, v60;
	v62 =	vperm.xlane v49, v16;
	s0 =	sld [smem:$0x7D6]  }
0x131: {  	[tilespmem:s8], [sflag:$0x3] =	stream.indirect_vreg.gather [hbm4b:s3+s2], $0x80, v57, vm0, $0xb8;
	[tilespmem:$0x4200] =	vst v63  }
0x132: {  	v56 =	vperm.xlane v49, v9;
	v63 =	vadd.s32 v11, v62;
	s8 =	sld [smem:$0x7D7]  }
0x133: {  	[tilespmem:s0], [sflag:$0x3] =	stream.indirect_vreg.gather [hbm4b:s3+s2], $0x80, v59, vm0, $0xb8;
	[tilespmem:$0x4200] =	vst v63  }
0x134: {  	v58 =	vperm.xlane v49, v17;
	v57 =	vadd.s32 v11, v56;
	s0 =	sld [smem:$0x7D8]  }
0x135: {  	[tilespmem:s8], [sflag:$0x3] =	stream.indirect_vreg.gather [hbm4b:s3+s2], $0x80, v61, vm0, $0xb8;
	[tilespmem:$0x4200] =	vst v63  }
0x136: {  	v60 =	vperm.xlane v49, v18;
	v59 =	vadd.s32 v11, v58;
	s8 =	sld [smem:$0x7D9]  }
0x137: {  	[tilespmem:s0], [sflag:$0x3] =	stream.indirect_vreg.gather [hbm4b:s3+s2], $0x80, v63, vm0, $0xb8;
	[tilespmem:$0x4200] =	vst v63  }
0x138: {  	v62 =	vperm.xlane v49, v19;
	v61 =	vadd.s32 v11, v60;
	s0 =	sld [smem:$0x7DA]  }
0x139: {  	[tilespmem:s8], [sflag:$0x3] =	stream.indirect_vreg.gather [hbm4b:s3+s2], $0x80, v57, vm0, $0xb8;
	[tilespmem:$0x4200] =	vst v63  }
0x13a: {  	v56 =	vperm.xlane v49, v21;
	v63 =	vadd.s32 v11, v62;
	s8 =	sld [smem:$0x7DB]  }
0x13b: {  	[tilespmem:s0], [sflag:$0x3] =	stream.indirect_vreg.gather [hbm4b:s3+s2], $0x80, v59, vm0, $0xb8;
	[tilespmem:$0x4200] =	vst v63  }
0x13c: {  	v58 =	vperm.xlane v49, v22;
	v57 =	vadd.s32 v11, v56;
	s0 =	sld [smem:$0x7DC]  }
0x13d: {  	[tilespmem:s8], [sflag:$0x3] =	stream.indirect_vreg.gather [hbm4b:s3+s2], $0x80, v61, vm0, $0xb8;
	[tilespmem:$0x4200] =	vst v63  }
0x13e: {  	v60 =	vperm.xlane v49, v23;
	v59 =	vadd.s32 v11, v58;
	s8 =	sld [smem:$0x7DD]  }
0x13f: {  	[tilespmem:s0], [sflag:$0x3] =	stream.indirect_vreg.gather [hbm4b:s3+s2], $0x80, v63, vm0, $0xb8;
	[tilespmem:$0x4200] =	vst v63  }
0x140: {  	v62 =	vperm.xlane v49, v24;
	v61 =	vadd.s32 v11, v60;
	s0 =	sld [smem:$0x7DE]  }
0x141: {  	[tilespmem:s8], [sflag:$0x3] =	stream.indirect_vreg.gather [hbm4b:s3+s2], $0x80, v57, vm0, $0xb8;
	[tilespmem:$0x4200] =	vst v63  }
0x142: {  	v49 =	vperm.xlane v49, v25;
	v63 =	vadd.s32 v11, v62;
	s8 =	sld [smem:$0x7DF]  }
0x143: {  	[tilespmem:s0], [sflag:$0x3] =	stream.indirect_vreg.gather [hbm4b:s3+s2], $0x80, v59, vm0, $0xb8;
	[tilespmem:$0x4200] =	vst v63  }
0x144: {  	v49 =	vadd.s32 v11, v49;
	s0 =	sld [smem:$0x7E0]  }
0x145: {  	[tilespmem:s8], [sflag:$0x3] =	stream.indirect_vreg.gather [hbm4b:s3+s2], $0x80, v61, vm0, $0xb8;
	[tilespmem:$0x4200] =	vst v63  }
0x146: {  	s8 =	sld [smem:$0x7E1]  }
0x147: {  	[tilespmem:s0], [sflag:$0x3] =	stream.indirect_vreg.gather [hbm4b:s3+s2], $0x80, v63, vm0, $0xb8;
	[tilespmem:$0x4200] =	vst v63  }
0x148: {  	_ = 	snop  }
0x149: {  	[tilespmem:s8], [sflag:$0x3] =	stream.indirect_vreg.gather [hbm4b:s3+s2], $0x80, v49, vm0, $0xb8;
	[tilespmem:$0x4200] =	vst v63  }
0x14a: {  	v49 =	vld [tilespmem:$0x150];
	_ =	sdelay $0x4  }
0x14b: {  	v55 =	vshll.u32 v49, $0x5  }
0x14c: {  	v49 =	vand.u32 $0x7, v49;
	v50 =	vand.u32 $0xFFFFFF00, v55  }
0x14d: {  	v49 =	vor.u32 v49, v50  }
0x14e: {  	v50 =	vperm.xlane v49, v1;
	_ =	sdelay $0x1  }
0x14f: {  	v56 =	vperm.xlane v49, v12;
	v50 =	vadd.s32 v11, v50;
	_ =	sdelay $0x1  }
0x150: {  	s7 =	sld [smem:$0x7E2];
	v57 =	vperm.xlane v49, v13;
	v51 =	vadd.s32 v11, v56;
	_ =	sdelay $0x1  }
0x151: {  	s8 =	sld [smem:$0x7E3];
	v58 =	vperm.xlane v49, v14;
	v52 =	vadd.s32 v11, v57  }
0x152: {  	[tilespmem:s7], [sflag:$0x3] =	stream.indirect_vreg.gather [hbm4b:s3+s2], $0x80, v50, vm0, $0xb8;
	[tilespmem:$0x4200] =	vst v63  }
0x153: {  	s0 =	sld [smem:$0x7E4];
	v60 =	vperm.xlane v49, v15;
	v59 =	vadd.s32 v11, v58  }
0x154: {  	[tilespmem:s8], [sflag:$0x3] =	stream.indirect_vreg.gather [hbm4b:s3+s2], $0x80, v51, vm0, $0xb8;
	[tilespmem:$0x4200] =	vst v63  }
0x155: {  	v62 =	vperm.xlane v49, v10;
	v61 =	vadd.s32 v11, v60;
	s8 =	sld [smem:$0x7E5]  }
0x156: {  	[tilespmem:s0], [sflag:$0x3] =	stream.indirect_vreg.gather [hbm4b:s3+s2], $0x80, v52, vm0, $0xb8;
	[tilespmem:$0x4200] =	vst v63  }
0x157: {  	v63 =	vadd.s32 v11, v62;
	v56 =	vperm.xlane v49, v16;
	s0 =	sld [smem:$0x7E6]  }
0x158: {  	[tilespmem:s8], [sflag:$0x3] =	stream.indirect_vreg.gather [hbm4b:s3+s2], $0x80, v59, vm0, $0xb8;
	[tilespmem:$0x4200] =	vst v63  }
0x159: {  	v58 =	vperm.xlane v49, v9;
	v57 =	vadd.s32 v11, v56;
	s8 =	sld [smem:$0x7E7]  }
0x15a: {  	[tilespmem:s0], [sflag:$0x3] =	stream.indirect_vreg.gather [hbm4b:s3+s2], $0x80, v61, vm0, $0xb8;
	[tilespmem:$0x4200] =	vst v63  }
0x15b: {  	v60 =	vperm.xlane v49, v17;
	v59 =	vadd.s32 v11, v58;
	s0 =	sld [smem:$0x7E8]  }
0x15c: {  	[tilespmem:s8], [sflag:$0x3] =	stream.indirect_vreg.gather [hbm4b:s3+s2], $0x80, v63, vm0, $0xb8;
	[tilespmem:$0x4200] =	vst v63  }
0x15d: {  	v62 =	vperm.xlane v49, v18;
	v61 =	vadd.s32 v11, v60;
	s8 =	sld [smem:$0x7E9]  }
0x15e: {  	[tilespmem:s0], [sflag:$0x3] =	stream.indirect_vreg.gather [hbm4b:s3+s2], $0x80, v57, vm0, $0xb8;
	[tilespmem:$0x4200] =	vst v63  }
0x15f: {  	v56 =	vperm.xlane v49, v19;
	v63 =	vadd.s32 v11, v62;
	s0 =	sld [smem:$0x7EA]  }
0x160: {  	[tilespmem:s8], [sflag:$0x3] =	stream.indirect_vreg.gather [hbm4b:s3+s2], $0x80, v59, vm0, $0xb8;
	[tilespmem:$0x4200] =	vst v63  }
0x161: {  	v58 =	vperm.xlane v49, v21;
	v57 =	vadd.s32 v11, v56;
	s8 =	sld [smem:$0x7EB]  }
0x162: {  	[tilespmem:s0], [sflag:$0x3] =	stream.indirect_vreg.gather [hbm4b:s3+s2], $0x80, v61, vm0, $0xb8;
	[tilespmem:$0x4200] =	vst v63  }
0x163: {  	v60 =	vperm.xlane v49, v22;
	v59 =	vadd.s32 v11, v58;
	s0 =	sld [smem:$0x7EC]  }
0x164: {  	[tilespmem:s8], [sflag:$0x3] =	stream.indirect_vreg.gather [hbm4b:s3+s2], $0x80, v63, vm0, $0xb8;
	[tilespmem:$0x4200] =	vst v63  }
0x165: {  	v62 =	vperm.xlane v49, v23;
	v61 =	vadd.s32 v11, v60;
	s8 =	sld [smem:$0x7ED]  }
0x166: {  	[tilespmem:s0], [sflag:$0x3] =	stream.indirect_vreg.gather [hbm4b:s3+s2], $0x80, v57, vm0, $0xb8;
	[tilespmem:$0x4200] =	vst v63  }
0x167: {  	v56 =	vperm.xlane v49, v24;
	v63 =	vadd.s32 v11, v62;
	s0 =	sld [smem:$0x7EE]  }
0x168: {  	[tilespmem:s8], [sflag:$0x3] =	stream.indirect_vreg.gather [hbm4b:s3+s2], $0x80, v59, vm0, $0xb8;
	[tilespmem:$0x4200] =	vst v63  }
0x169: {  	v49 =	vperm.xlane v49, v25;
	v57 =	vadd.s32 v11, v56;
	s8 =	sld [smem:$0x7EF]  }
0x16a: {  	[tilespmem:s0], [sflag:$0x3] =	stream.indirect_vreg.gather [hbm4b:s3+s2], $0x80, v61, vm0, $0xb8;
	[tilespmem:$0x4200] =	vst v63  }
0x16b: {  	v49 =	vadd.s32 v11, v49;
	s0 =	sld [smem:$0x7F0]  }
0x16c: {  	[tilespmem:s8], [sflag:$0x3] =	stream.indirect_vreg.gather [hbm4b:s3+s2], $0x80, v63, vm0, $0xb8;
	[tilespmem:$0x4200] =	vst v63  }
0x16d: {  	s8 =	sld [smem:$0x7F1]  }
0x16e: {  	[tilespmem:s0], [sflag:$0x3] =	stream.indirect_vreg.gather [hbm4b:s3+s2], $0x80, v57, vm0, $0xb8;
	[tilespmem:$0x4200] =	vst v63  }
0x16f: {  	_ = 	snop  }
0x170: {  	[tilespmem:s8], [sflag:$0x3] =	stream.indirect_vreg.gather [hbm4b:s3+s2], $0x80, v49, vm0, $0xb8;
	[tilespmem:$0x4200] =	vst v63  }
0x171: {  	v49 =	vld [tilespmem:$0x160];
	_ =	sdelay $0x4  }
0x172: {  	v58 =	vshll.u32 v49, $0x5  }
0x173: {  	v49 =	vand.u32 $0x7, v49;
	v50 =	vand.u32 $0xFFFFFF00, v58  }
0x174: {  	v49 =	vor.u32 v49, v50  }
0x175: {  	v50 =	vperm.xlane v49, v1;
	_ =	sdelay $0x1  }
0x176: {  	v59 =	vperm.xlane v49, v12;
	v50 =	vadd.s32 v11, v50;
	_ =	sdelay $0x1  }
0x177: {  	s7 =	sld [smem:$0x7F2];
	v60 =	vperm.xlane v49, v13;
	v51 =	vadd.s32 v11, v59;
	_ =	sdelay $0x1  }
0x178: {  	s8 =	sld [smem:$0x7F3];
	v61 =	vperm.xlane v49, v14;
	v52 =	vadd.s32 v11, v60  }
0x179: {  	[tilespmem:s7], [sflag:$0x3] =	stream.indirect_vreg.gather [hbm4b:s3+s2], $0x80, v50, vm0, $0xb8;
	[tilespmem:$0x4200] =	vst v63  }
0x17a: {  	s0 =	sld [smem:$0x7F4];
	v63 =	vperm.xlane v49, v15;
	v62 =	vadd.s32 v11, v61  }
0x17b: {  	[tilespmem:s8], [sflag:$0x3] =	stream.indirect_vreg.gather [hbm4b:s3+s2], $0x80, v51, vm0, $0xb8;
	[tilespmem:$0x4200] =	vst v63  }
0x17c: {  	v57 =	vperm.xlane v49, v10;
	v56 =	vadd.s32 v11, v63;
	s8 =	sld [smem:$0x7F5]  }
0x17d: {  	[tilespmem:s0], [sflag:$0x3] =	stream.indirect_vreg.gather [hbm4b:s3+s2], $0x80, v52, vm0, $0xb8;
	[tilespmem:$0x4200] =	vst v63  }
0x17e: {  	v58 =	vadd.s32 v11, v57;
	v59 =	vperm.xlane v49, v16;
	s0 =	sld [smem:$0x7F6]  }
0x17f: {  	[tilespmem:s8], [sflag:$0x3] =	stream.indirect_vreg.gather [hbm4b:s3+s2], $0x80, v62, vm0, $0xb8;
	[tilespmem:$0x4200] =	vst v63  }
0x180: {  	v61 =	vperm.xlane v49, v9;
	v60 =	vadd.s32 v11, v59;
	s8 =	sld [smem:$0x7F7]  }
0x181: {  	[tilespmem:s0], [sflag:$0x3] =	stream.indirect_vreg.gather [hbm4b:s3+s2], $0x80, v56, vm0, $0xb8;
	[tilespmem:$0x4200] =	vst v63  }
0x182: {  	v63 =	vperm.xlane v49, v17;
	v62 =	vadd.s32 v11, v61;
	s0 =	sld [smem:$0x7F8]  }
0x183: {  	[tilespmem:s8], [sflag:$0x3] =	stream.indirect_vreg.gather [hbm4b:s3+s2], $0x80, v58, vm0, $0xb8;
	[tilespmem:$0x4200] =	vst v63  }
0x184: {  	v57 =	vperm.xlane v49, v18;
	v56 =	vadd.s32 v11, v63;
	s8 =	sld [smem:$0x7F9]  }
0x185: {  	[tilespmem:s0], [sflag:$0x3] =	stream.indirect_vreg.gather [hbm4b:s3+s2], $0x80, v60, vm0, $0xb8;
	[tilespmem:$0x4200] =	vst v63  }
0x186: {  	v59 =	vperm.xlane v49, v19;
	v58 =	vadd.s32 v11, v57;
	s0 =	sld [smem:$0x7FA]  }
0x187: {  	[tilespmem:s8], [sflag:$0x3] =	stream.indirect_vreg.gather [hbm4b:s3+s2], $0x80, v62, vm0, $0xb8;
	[tilespmem:$0x4200] =	vst v63  }
0x188: {  	v61 =	vperm.xlane v49, v21;
	v60 =	vadd.s32 v11, v59;
	s8 =	sld [smem:$0x7FB]  }
0x189: {  	[tilespmem:s0], [sflag:$0x3] =	stream.indirect_vreg.gather [hbm4b:s3+s2], $0x80, v56, vm0, $0xb8;
	[tilespmem:$0x4200] =	vst v63  }
0x18a: {  	v63 =	vperm.xlane v49, v22;
	v62 =	vadd.s32 v11, v61;
	s0 =	sld [smem:$0x7FC]  }
0x18b: {  	[tilespmem:s8], [sflag:$0x3] =	stream.indirect_vreg.gather [hbm4b:s3+s2], $0x80, v58, vm0, $0xb8;
	[tilespmem:$0x4200] =	vst v63  }
0x18c: {  	v57 =	vperm.xlane v49, v23;
	v56 =	vadd.s32 v11, v63;
	s8 =	sld [smem:$0x7FD]  }
0x18d: {  	[tilespmem:s0], [sflag:$0x3] =	stream.indirect_vreg.gather [hbm4b:s3+s2], $0x80, v60, vm0, $0xb8;
	[tilespmem:$0x4200] =	vst v63  }
0x18e: {  	v59 =	vperm.xlane v49, v24;
	v58 =	vadd.s32 v11, v57  }
0x18f: {  	[tilespmem:s8], [sflag:$0x3] =	stream.indirect_vreg.gather [hbm4b:s3+s2], $0x80, v62, vm0, $0xb8;
	[tilespmem:$0x4200] =	vst v63  }
0x190: {  	s7 =	simm.s32 $0x3780;
	v49 =	vperm.xlane v49, v25;
	v60 =	vadd.s32 v11, v59  }
0x191: {  	[tilespmem:s7], [sflag:$0x3] =	stream.indirect_vreg.gather [hbm4b:s3+s2], $0x80, v56, vm0, $0xb8;
	[tilespmem:$0x4200] =	vst v63  }
0x192: {  	v49 =	vadd.s32 v11, v49;
	s8 =	simm.s32 $0x3800  }
0x193: {  	[tilespmem:s8], [sflag:$0x3] =	stream.indirect_vreg.gather [hbm4b:s3+s2], $0x80, v58, vm0, $0xb8;
	[tilespmem:$0x4200] =	vst v63  }
0x194: {  	_ = 	snop  }
0x195: {  	[tilespmem:s9], [sflag:$0x3] =	stream.indirect_vreg.gather [hbm4b:s3+s2], $0x80, v60, vm0, $0xb8;
	[tilespmem:$0x4200] =	vst v63  }
0x196: {  	_ = 	snop  }
0x197: {  	[tilespmem:s10], [sflag:$0x3] =	stream.indirect_vreg.gather [hbm4b:s3+s2], $0x80, v49, vm0, $0xb8;
	[tilespmem:$0x4200] =	vst v63  }
0x198: {  	v49 =	vld [tilespmem:$0x170];
	_ =	sdelay $0x4  }
0x199: {  	v61 =	vshll.u32 v49, $0x5  }
0x19a: {  	v49 =	vand.u32 $0x7, v49;
	v50 =	vand.u32 $0xFFFFFF00, v61  }
0x19b: {  	v49 =	vor.u32 v49, v50  }
0x19c: {  	v50 =	vperm.xlane v49, v1;
	_ =	sdelay $0x1  }
0x19d: {  	v62 =	vperm.xlane v49, v12;
	v50 =	vadd.s32 v11, v50;
	_ =	sdelay $0x1  }
0x19e: {  	v63 =	vperm.xlane v49, v13;
	v51 =	vadd.s32 v11, v62;
	_ =	sdelay $0x1  }
0x19f: {  	v56 =	vperm.xlane v49, v14;
	v52 =	vadd.s32 v11, v63  }
0x1a0: {  	[tilespmem:s11], [sflag:$0x3] =	stream.indirect_vreg.gather [hbm4b:s3+s2], $0x80, v50, vm0, $0xb8;
	[tilespmem:$0x4200] =	vst v63  }
0x1a1: {  	v58 =	vperm.xlane v49, v15;
	v57 =	vadd.s32 v11, v56  }
0x1a2: {  	[tilespmem:s12], [sflag:$0x3] =	stream.indirect_vreg.gather [hbm4b:s3+s2], $0x80, v51, vm0, $0xb8;
	[tilespmem:$0x4200] =	vst v63  }
0x1a3: {  	v60 =	vperm.xlane v49, v10;
	v59 =	vadd.s32 v11, v58  }
0x1a4: {  	[tilespmem:s13], [sflag:$0x3] =	stream.indirect_vreg.gather [hbm4b:s3+s2], $0x80, v52, vm0, $0xb8;
	[tilespmem:$0x4200] =	vst v63  }
0x1a5: {  	v61 =	vadd.s32 v11, v60;
	v62 =	vperm.xlane v49, v16  }
0x1a6: {  	[tilespmem:s14], [sflag:$0x3] =	stream.indirect_vreg.gather [hbm4b:s3+s2], $0x80, v57, vm0, $0xb8;
	[tilespmem:$0x4200] =	vst v63  }
0x1a7: {  	v56 =	vperm.xlane v49, v9;
	v63 =	vadd.s32 v11, v62  }
0x1a8: {  	[tilespmem:s15], [sflag:$0x3] =	stream.indirect_vreg.gather [hbm4b:s3+s2], $0x80, v59, vm0, $0xb8;
	[tilespmem:$0x4200] =	vst v63  }
0x1a9: {  	v58 =	vperm.xlane v49, v17;
	v57 =	vadd.s32 v11, v56  }
0x1aa: {  	[tilespmem:s16], [sflag:$0x3] =	stream.indirect_vreg.gather [hbm4b:s3+s2], $0x80, v61, vm0, $0xb8;
	[tilespmem:$0x4200] =	vst v63  }
0x1ab: {  	v60 =	vperm.xlane v49, v18;
	v59 =	vadd.s32 v11, v58  }
0x1ac: {  	[tilespmem:s17], [sflag:$0x3] =	stream.indirect_vreg.gather [hbm4b:s3+s2], $0x80, v63, vm0, $0xb8;
	[tilespmem:$0x4200] =	vst v63  }
0x1ad: {  	v62 =	vperm.xlane v49, v19;
	v61 =	vadd.s32 v11, v60  }
0x1ae: {  	[tilespmem:s18], [sflag:$0x3] =	stream.indirect_vreg.gather [hbm4b:s3+s2], $0x80, v57, vm0, $0xb8;
	[tilespmem:$0x4200] =	vst v63  }
0x1af: {  	v56 =	vperm.xlane v49, v21;
	v63 =	vadd.s32 v11, v62  }
0x1b0: {  	[tilespmem:s19], [sflag:$0x3] =	stream.indirect_vreg.gather [hbm4b:s3+s2], $0x80, v59, vm0, $0xb8;
	[tilespmem:$0x4200] =	vst v63  }
0x1b1: {  	v58 =	vperm.xlane v49, v22;
	v57 =	vadd.s32 v11, v56  }
0x1b2: {  	[tilespmem:s20], [sflag:$0x3] =	stream.indirect_vreg.gather [hbm4b:s3+s2], $0x80, v61, vm0, $0xb8;
	[tilespmem:$0x4200] =	vst v63  }
0x1b3: {  	v60 =	vperm.xlane v49, v23;
	v59 =	vadd.s32 v11, v58  }
0x1b4: {  	[tilespmem:s21], [sflag:$0x3] =	stream.indirect_vreg.gather [hbm4b:s3+s2], $0x80, v63, vm0, $0xb8;
	[tilespmem:$0x4200] =	vst v63  }
0x1b5: {  	v62 =	vperm.xlane v49, v24;
	v61 =	vadd.s32 v11, v60  }
0x1b6: {  	[tilespmem:s22], [sflag:$0x3] =	stream.indirect_vreg.gather [hbm4b:s3+s2], $0x80, v57, vm0, $0xb8;
	[tilespmem:$0x4200] =	vst v63  }
0x1b7: {  	v49 =	vperm.xlane v49, v25;
	v63 =	vadd.s32 v11, v62  }
0x1b8: {  	[tilespmem:s23], [sflag:$0x3] =	stream.indirect_vreg.gather [hbm4b:s3+s2], $0x80, v59, vm0, $0xb8;
	[tilespmem:$0x4200] =	vst v63  }
0x1b9: {  	v49 =	vadd.s32 v11, v49  }
0x1ba: {  	[tilespmem:s24], [sflag:$0x3] =	stream.indirect_vreg.gather [hbm4b:s3+s2], $0x80, v61, vm0, $0xb8;
	[tilespmem:$0x4200] =	vst v63  }
0x1bb: {  	_ = 	snop  }
0x1bc: {  	[tilespmem:s25], [sflag:$0x3] =	stream.indirect_vreg.gather [hbm4b:s3+s2], $0x80, v63, vm0, $0xb8;
	[tilespmem:$0x4200] =	vst v63  }
0x1bd: {  	_ = 	snop  }
0x1be: {  	[tilespmem:s26], [sflag:$0x3] =	stream.indirect_vreg.gather [hbm4b:s3+s2], $0x80, v49, vm0, $0xb8;
	[tilespmem:$0x4200] =	vst v63  }
0x1bf: {  	_ =	swait.ge [sflag:s28], $0x80  }
0x1c0: {  	[sflag:s28] =	ssyncset.done $0x0  }
0x1c1: {  	[sflag:s28] =	ssyncadd.s32 $0xFFFFFF80  }
0x1c2: {  	v55 =	vld [tilespmem:$0x80];
	_ =	sdelay $0x1  }
0x1c3: {  	v56 =	vld [tilespmem:$0x90]  }
0x1c4: {  	vm9 =	vgt.s32 v48, $0x0  }
0x1c5: {  	vm10 =	vle.s32 v47, $0x2710;
	vm9 =	vmor vm9, vm0;
	v58 =	vld [tilespmem:$0xA0]  }
0x1c6: {  	vm9 =	vmand vm9, vm10;
	v57 =	vadd.f32 $0.0e+00, v55  }
0x1c7: {  	vm15 =	vle.s32 v45, $0x2710;
	v60 =	vsel vm9, $0x3F800000, v1;
	v59 =	vsel vm8, $0x3F800000, v1;
	v62 =	vld [tilespmem:$0xB0]  }
0x1c8: {  	v61 =	vadd.f32 v60, v59;
	v48 =	vnsel vm7, $0x0, v56;
	v47 =	vnsel vm8, $0x0, v57  }
0x1c9: {  	vm12 =	vgt.s32 v46, $0x0;
	v63 =	vsel vm7, $0x3F800000, v1;
	v53 =	vld [tilespmem:$0xC0];
	v52 =	vadd.f32 v48, v47  }
0x1ca: {  	v45 =	vadd.f32 v63, v61;
	vm7 =	vmand vm12, vm15;
	v49 =	vnsel vm6, $0x0, v58  }
0x1cb: {  	vm14 =	vle.s32 v42, $0x2710;
	v55 =	vld [tilespmem:$0xD0];
	v54 =	vsel vm7, $0x3F800000, v1;
	v46 =	vadd.f32 v49, v52  }
0x1cc: {  	vm13 =	vgt.s32 v44, $0x0;
	v45 =	vadd.f32 v54, v45;
	v57 =	vnsel vm5, $0x0, v62  }
0x1cd: {  	v56 =	vsel vm6, $0x3F800000, v1;
	v58 =	vld [tilespmem:$0xE0];
	vm6 =	vmor vm13, vm0;
	v59 =	vadd.f32 v57, v46  }
0x1ce: {  	v60 =	vld [tilespmem:$0xF0];
	v61 =	vnsel vm4, $0x0, v53;
	_ =	swait.ge [sflag:s29], $0x4000;
	vm6 =	vmand vm6, vm14;
	v45 =	vadd.f32 v56, v45  }
0x1cf: {  	[sflag:s29] =	ssyncset.done $0x0;
	v62 =	vsel vm6, $0x3F800000, v1;
	v42 =	vadd.f32 v61, v59  }
0x1d0: {  	vm11 =	vgt.s32 v43, $0x0;
	[sflag:s29] =	ssyncadd.s32 $0xFFFFC000;
	v49 =	vnsel vm3, $0x0, v55;
	v63 =	vadd.f32 v62, v45  }
0x1d1: {  	v51 =	vsel vm5, $0x3F800000, v1;
	vm15 =	vle.s32 v40, $0x2710;
	v52 =	vld.idx.msk [tilespmem:v20+s6+$0x0], $0xffff;
	v42 =	vadd.f32 v49, v42  }
0x1d2: {  	vm5 =	vmand vm11, vm15;
	v53 =	vnsel vm2, $0x0, v58;
	v40 =	vadd.f32 v51, v63  }
0x1d3: {  	v44 =	vnsel vm1, $0x0, v60;
	v54 =	vsel vm5, $0x3F800000, v1;
	v55 =	vld.idx.msk [tilespmem:v26+s6+$0x0], $0xffff;
	v42 =	vadd.f32 v53, v42  }
0x1d4: {  	vm12 =	vgt.s32 v41, $0x0;
	vm13 =	vle.s32 v37, $0x2710;
	v40 =	vadd.f32 v54, v40  }
0x1d5: {  	v56 =	vsel vm4, $0x3F800000, v1;
	vm4 =	vmor vm12, vm0;
	v58 =	vld.idx.msk [tilespmem:v27+s6+$0x0], $0xffff;
	v57 =	vadd.f32 v44, v42  }
0x1d6: {  	vm4 =	vmand vm4, vm13;
	v43 =	vnsel vm9, $0x0, v52;
	v59 =	vadd.f32 v56, v40  }
0x1d7: {  	v63 =	vsel vm4, $0x3F800000, v1;
	v61 =	vld.idx.msk [tilespmem:v28+s6+$0x0], $0xffff;
	v60 =	vadd.f32 v43, v57  }
0x1d8: {  	vm14 =	vgt.s32 v39, $0x0;
	v62 =	vnsel vm7, $0x0, v55;
	v37 =	vadd.f32 v63, v59  }
0x1d9: {  	v48 =	vsel vm3, $0x3F800000, v1;
	vm3 =	vle.s32 v35, $0x2710;
	v49 =	vld.idx.msk [tilespmem:v29+s6+$0x0], $0xffff;
	v40 =	vadd.f32 v62, v60  }
0x1da: {  	vm3 =	vmand vm14, vm3;
	v51 =	vld.idx.msk [tilespmem:v30+s6+$0x0], $0xffff;
	v50 =	vnsel vm6, $0x0, v58;
	v37 =	vadd.f32 v48, v37  }
0x1db: {  	v54 =	vld.idx.msk [tilespmem:v31+s6+$0x0], $0xffff;
	v55 =	vsel vm2, $0x3F800000, v1;
	v53 =	vsel vm3, $0x3F800000, v1;
	v35 =	vadd.f32 v50, v40  }
0x1dc: {  	vm2 =	vgt.s32 v38, $0x0;
	v52 =	vnsel vm5, $0x0, v61;
	v37 =	vadd.f32 v53, v37  }
0x1dd: {  	vm15 =	vle.s32 v33, $0x2710;
	vm2 =	vmor vm2, vm0;
	v35 =	vadd.f32 v52, v35  }
0x1de: {  	vm2 =	vmand vm2, vm15;
	v56 =	vnsel vm4, $0x0, v49;
	v37 =	vadd.f32 v55, v37  }
0x1df: {  	v58 =	vld.idx.msk [tilespmem:v32+s6+$0x0], $0xffff;
	v59 =	vnsel vm3, $0x0, v51;
	v60 =	vsel vm2, $0x3F800000, v1;
	v57 =	vadd.f32 v56, v35  }
0x1e0: {  	vm3 =	vle.s32 v34, $0x2710;
	v61 =	vnsel vm2, $0x0, v54;
	v34 =	vadd.f32 v60, v37  }
0x1e1: {  	vm2 =	vgt.s32 v36, $0x0;
	v62 =	vsel vm1, $0x3F800000, v1;
	v33 =	vadd.f32 v59, v57  }
0x1e2: {  	vm1 =	vmand vm2, vm3;
	v34 =	vadd.f32 v62, v34  }
0x1e3: {  	v63 =	vsel vm1, $0x3F800000, v1;
	v33 =	vadd.f32 v61, v33  }
0x1e4: {  	v35 =	vnsel vm1, $0x0, v58;
	v34 =	vadd.f32 v63, v34  }
0x1e5: {  	v33 =	vadd.f32 v35, v33  }
0x1e6: {  	[tilespmem:$0x4190] =	vst v34  }
0x1e7: {  	s7 =	rddreg [dreg:$0x6];
	[tilespmem:$0x4180] =	vst v33  }
0x1e8: {  	[hbm4b:s7+s2] =	stream.linear.scatter [tilespmem:s30], [sflag:$0x4], $0x10, $0x38;
	[tilespmem:$0x4200] =	vst v63  }
0x1e9: {  	_ =	swait.ge [sflag:s31], $0x10  }
0x1ea: {  	p0 =	sne.s32 s4, $0x1;
	[sflag:s31] =	ssyncset.done $0x0  }
.Ltmp0:
0x1eb: {  	s8 =	rddreg [dreg:$0x7];
	[sflag:s31] =	ssyncadd.s32 $0xFFFFFFF0;
	(pc) =	sbr.rel @p0 .LBB2_1-.Ltmp0, $4  }
0x1ec: {  	[hbm4b:s8+s2] =	stream.linear.scatter [tilespmem:s1], [sflag:$0x4], $0x10, $0x38;
	[tilespmem:$0x4200] =	vst v63  }
0x1ed: {  	_ =	swait.ge [sflag:s31], $0x10  }
0x1ee: {  	[sflag:s31] =	ssyncset.done $0x0  }
0x1ef: {  	s4 =	sadd.s32 $0xFFFFFFFF, s4;
	[sflag:s31] =	ssyncadd.s32 $0xFFFFFFF0  }
0x1f0: {  	_ =	sfence.sel $0x180000  }
0x1f1: {  	[bflag:$0x0] =	sbarrier.arrive $0xFFFF  }
0x1f2: {  	_ =	strace $0x90000047  }
0x1f3: {  	s0 =	stileid.u32;
	[bflag:$0x2] =	sbarrier.arrive $0xFFFF  }
0x1f4: {  	p0 =	sne.s32 s0, $0x0;
	s0 =	rddreg [dreg:$0x3]  }
0x1f5: {  	s0 =	sadd.s32 @!p0 $0x100000, s0  }
0x1f6: {  	[sflag:s0] =	ssyncadd.tile.s32 @!p0 $0x1;
	_ =	shalt  }
.Lfunc_end2:
_tile_overlayer_lowered:
.L_overlay_start_2:
0x1f7: {  	(tag) =	ssettag $0x2  }
0x1f8: {  	s0 =	rddreg [dreg:$0x0];
	s2 =	stileid.u32  }
0x1f9: {  	s1 =	rddreg [dreg:$0x1];
	p0 =	sne.s32 s2, $0x0  }
0x1fa: {  	s3 =	rddreg [dreg:$0x2];
	[bflag:$0x3] =	sbarrier.arrive $0xFFFF;
	s2 =	simm.s32 @!p0 $0x1C04  }
0x1fb: {  	[timem:s3], [sflag:s2] =	dma.local @!p0 [hbm:s0], s1  }
0x1fc: {  	s0 =	simm.s32 @!p0 $0x4  }
0x1fd: {  	_ =	swait.ge @!p0 [sflag:s0], s1  }
0x1fe: {  	s1 =	ssub.s32 @!p0 $0x0, s1;
	[sflag:s0] =	ssyncset.done @!p0 $0x0  }
0x1ff: {  	[sflag:s0] =	ssyncadd.s32 @!p0 s1  }
0x200: {  	[bflag:$0x3] =	sbarrier.arrive $0xFFFF  }
0x201: {  	_ =	shalt  }

</sc_bundles>
